<compile_context>
chip_gen: v7x
topology: tpu7x:2x2x1
jax: 0.10.2.dev20260603
libtpu: 0.0.44.dev20260713+nightly
codegen_flags: <defaults>
</compile_context>

<pallas_src>
import functools

import jax
import jax.numpy as jnp
from jax import lax
from jax.experimental import pallas as pl
from jax.experimental.pallas import tpu as pltpu
from jax.experimental.pallas import tpu_sc as plsc

N = 10000
E = 320000
H = 128
DE = 16
L = 3
G = 128
NC = 10

NUM_CORES = 2
NUM_SUBCORES = 16
NW = NUM_CORES * NUM_SUBCORES
CHUNK = 128
CH_PER_W = 79
E_PAD = NW * CHUNK * CH_PER_W
NPAD = 10112
ROWS_PER_TILE = NPAD // NUM_SUBCORES

NT = 1000
NGRID = N // NT
ET = 1024
EGRID = E_PAD // ET



def _edge_body(h_hbm, e_hbm, src_hbm, dstm_hbm, zeros_hbm, out_hbm,
               idxs_v, idxd_v, rows_v, e_v, aggr_sh, sem):
    cid = lax.axis_index("c")
    sid = lax.axis_index("s")
    w = cid * NUM_SUBCORES + sid
    r0 = sid * ROWS_PER_TILE
    pltpu.sync_copy(zeros_hbm.at[pl.ds(r0, ROWS_PER_TILE)],
                    aggr_sh.at[pl.ds(r0, ROWS_PER_TILE)])
    plsc.subcore_barrier()

    base = w * CH_PER_W

    def chunk_body(k, carry):
        row = base + k
        pltpu.sync_copy(src_hbm.at[pl.ds(row * CHUNK, CHUNK)], idxs_v)
        pltpu.sync_copy(dstm_hbm.at[pl.ds(row, 1)], idxd_v)
        pltpu.async_copy(h_hbm.at[idxs_v], rows_v, sem).wait()
        pltpu.sync_copy(e_hbm.at[pl.ds(row * CHUNK, CHUNK)], e_v)

        def vbody(i, cc):
            for j in range(H // 16):
                s = (rows_v[i, pl.ds(j * 16, 16)]
                     + e_v[i, pl.ds(j * 16, 16)])
                rows_v[i, pl.ds(j * 16, 16)] = jnp.maximum(s, 0.0)
            return cc

        lax.fori_loop(0, CHUNK, vbody, 0)

        pltpu.sync_copy(rows_v, aggr_sh.at[idxd_v.at[0]], add=True)
        return carry

    lax.fori_loop(0, CH_PER_W, chunk_body, 0)
    plsc.subcore_barrier()
    pltpu.sync_copy(aggr_sh.at[pl.ds(r0, ROWS_PER_TILE)],
                    out_hbm.at[cid, pl.ds(r0, ROWS_PER_TILE)])


_edge_call = functools.partial(
    pl.kernel,
    out_type=jax.ShapeDtypeStruct((NUM_CORES, NPAD, H), jnp.float32),
    mesh=plsc.VectorSubcoreMesh(core_axis_name="c", subcore_axis_name="s",
                                num_cores=NUM_CORES, num_subcores=NUM_SUBCORES),
    scratch_types=[
        pltpu.VMEM((CHUNK,), jnp.int32),
        pltpu.VMEM((1, CHUNK), jnp.int32),
        pltpu.VMEM((CHUNK, H), jnp.float32),
        pltpu.VMEM((CHUNK, H), jnp.float32),
        pltpu.VMEM_SHARED((NPAD, H), jnp.float32),
        pltpu.SemaphoreType.DMA,
    ],
)(_edge_body)



def _e_mm_body(ea_ref, w_ref, b_ref, o_ref):
    o_ref[...] = (jnp.dot(ea_ref[...], w_ref[...],
                          preferred_element_type=jnp.float32) + b_ref[...])


_e_mm = pl.pallas_call(
    _e_mm_body,
    grid=(EGRID,),
    in_specs=[
        pl.BlockSpec((ET, DE), lambda i: (i, 0)),
        pl.BlockSpec((DE, H), lambda i: (0, 0)),
        pl.BlockSpec((1, H), lambda i: (0, 0)),
    ],
    out_specs=pl.BlockSpec((ET, H), lambda i: (i, 0)),
    out_shape=jax.ShapeDtypeStruct((E_PAD, H), jnp.float32),
)


def _pre_body(h_ref, bf_ref, vn_ref, hin_ref, vt_ref):
    i = pl.program_id(0)
    iota = lax.broadcasted_iota(jnp.int32, (NT, G), 1)
    oh = jnp.where(bf_ref[...] == iota, 1.0, 0.0)
    hin = h_ref[...] + jnp.dot(oh, vn_ref[...], preferred_element_type=jnp.float32)
    hin_ref[...] = hin
    contrib = lax.dot_general(oh, hin, (((0,), (0,)), ((), ())),
                              preferred_element_type=jnp.float32)

    @pl.when(i == 0)
    def _():
        vt_ref[...] = jnp.zeros_like(vt_ref)

    vt_ref[...] += contrib


_pre = pl.pallas_call(
    _pre_body,
    grid=(NGRID,),
    in_specs=[
        pl.BlockSpec((NT, H), lambda i: (i, 0)),
        pl.BlockSpec((NT, 1), lambda i: (i, 0)),
        pl.BlockSpec((G, H), lambda i: (0, 0)),
    ],
    out_specs=[
        pl.BlockSpec((NT, H), lambda i: (i, 0)),
        pl.BlockSpec((G, H), lambda i: (0, 0)),
    ],
    out_shape=[
        jax.ShapeDtypeStruct((N, H), jnp.float32),
        jax.ShapeDtypeStruct((G, H), jnp.float32),
    ],
)


def _mlp_body(aggr_ref, hin_ref, w1_ref, b1_ref, w2_ref, b2_ref, o_ref):
    xx = aggr_ref[0] + aggr_ref[1] + hin_ref[...]
    z = jnp.dot(xx, w1_ref[...], preferred_element_type=jnp.float32) + b1_ref[...]
    z = jnp.maximum(z, 0.0)
    o_ref[...] = (jnp.dot(z, w2_ref[...], preferred_element_type=jnp.float32)
                  + b2_ref[...])


_mlp = pl.pallas_call(
    _mlp_body,
    grid=(NGRID,),
    in_specs=[
        pl.BlockSpec((NUM_CORES, NT, H), lambda i: (0, i, 0)),
        pl.BlockSpec((NT, H), lambda i: (i, 0)),
        pl.BlockSpec((H, 2 * H), lambda i: (0, 0)),
        pl.BlockSpec((1, 2 * H), lambda i: (0, 0)),
        pl.BlockSpec((2 * H, H), lambda i: (0, 0)),
        pl.BlockSpec((1, H), lambda i: (0, 0)),
    ],
    out_specs=pl.BlockSpec((NT, H), lambda i: (i, 0)),
    out_shape=jax.ShapeDtypeStruct((N, H), jnp.float32),
)


def _vn_body(vt_ref, vn_ref, v1_ref, c1_ref, a1_ref, v2_ref, c2_ref, a2_ref,
             o_ref):
    u = jnp.dot(vt_ref[...] + vn_ref[...], v1_ref[...],
                preferred_element_type=jnp.float32) + c1_ref[...]
    a1 = a1_ref[0, 0]
    u = jnp.where(u >= 0.0, u, a1 * u)
    u = jnp.dot(u, v2_ref[...], preferred_element_type=jnp.float32) + c2_ref[...]
    a2 = a2_ref[0, 0]
    o_ref[...] = jnp.where(u >= 0.0, u, a2 * u)


_vn_mlp = pl.pallas_call(
    _vn_body,
    out_shape=jax.ShapeDtypeStruct((G, H), jnp.float32),
)


def _final_body(h_ref, bf_ref, wg_ref, bg_ref, o_ref, num_acc, cnt_acc):
    i = pl.program_id(0)
    iota = lax.broadcasted_iota(jnp.int32, (NT, G), 1)
    oh = jnp.where(bf_ref[...] == iota, 1.0, 0.0)

    @pl.when(i == 0)
    def _():
        num_acc[...] = jnp.zeros_like(num_acc)
        cnt_acc[...] = jnp.zeros_like(cnt_acc)

    num_acc[...] += lax.dot_general(oh, h_ref[...], (((0,), (0,)), ((), ())),
                                    preferred_element_type=jnp.float32)
    ones = jnp.ones((NT, H), jnp.float32)
    cnt_acc[...] += lax.dot_general(oh, ones, (((0,), (0,)), ((), ())),
                                    preferred_element_type=jnp.float32)

    @pl.when(i == NGRID - 1)
    def _():
        hg = num_acc[...] / jnp.maximum(cnt_acc[...], 1.0)
        o_ref[...] = (jnp.dot(hg, wg_ref[...],
                              preferred_element_type=jnp.float32) + bg_ref[...])


_final = pl.pallas_call(
    _final_body,
    grid=(NGRID,),
    in_specs=[
        pl.BlockSpec((NT, H), lambda i: (i, 0)),
        pl.BlockSpec((NT, 1), lambda i: (i, 0)),
        pl.BlockSpec((H, H), lambda i: (0, 0)),
        pl.BlockSpec((1, H), lambda i: (0, 0)),
    ],
    out_specs=pl.BlockSpec((G, H), lambda i: (0, 0)),
    out_shape=jax.ShapeDtypeStruct((G, H), jnp.float32),
    scratch_shapes=[
        pltpu.VMEM((G, H), jnp.float32),
        pltpu.VMEM((G, H), jnp.float32),
    ],
)



def kernel(x, edge_index, edge_attr, batch, node_emb, vn_emb, We, be, W1, b1,
           g1, bt1, W2, b2, V1, c1, vg1, vb1, pa1, V2, c2, vg2, vb2, pa2,
           Wg, bg):
    s = 1.0 / jnp.sqrt(jnp.float32(1.0 + 1e-5))
    W1f = W1 * (g1 * s)[:, None, :]
    b1f = b1 * (g1 * s) + bt1
    V1f = V1 * (vg1 * s)[:, None, :]
    c1f = c1 * (vg1 * s) + vb1
    V2f = V2 * (vg2 * s)[:, None, :]
    c2f = c2 * (vg2 * s) + vb2

    h = jnp.take(node_emb, x, axis=0)
    vn = jnp.take(vn_emb, jnp.zeros((G,), jnp.int32), axis=0)
    batchf = batch.reshape(N, 1)

    pad = E_PAD - E
    srcp = jnp.concatenate([edge_index[0], jnp.zeros((pad,), jnp.int32)])
    dstp = jnp.concatenate([edge_index[1], jnp.full((pad,), N, jnp.int32)])
    dstm = dstp.reshape(E_PAD // CHUNK, CHUNK)
    eap = jnp.concatenate([edge_attr, jnp.zeros((pad, DE), jnp.float32)])
    zeros_buf = jnp.zeros((NPAD, H), jnp.float32)

    wg_pad = jnp.zeros((H, H), jnp.float32).at[:, :NC].set(Wg)
    bg_pad = jnp.zeros((1, H), jnp.float32).at[0, :NC].set(bg)

    for i in range(L):
        e_i = _e_mm(eap, We[i], be[i].reshape(1, H))
        h_in, vt = _pre(h, batchf, vn)
        aggr2 = _edge_call(h_in, e_i, srcp, dstm, zeros_buf)
        h = _mlp(aggr2, h_in, W1f[i], b1f[i].reshape(1, 2 * H), W2[i],
                 b2[i].reshape(1, H))
        if i < L - 1:
            vn = _vn_mlp(vt, vn, V1f[i], c1f[i].reshape(1, 2 * H),
                         pa1[i].reshape(1, 1), V2f[i],
                         c2f[i].reshape(1, H), pa2[i].reshape(1, 1))

    logits = _final(h, batchf, wg_pad, bg_pad)
    return logits[:, :NC]

# --- scband reference (transcript-rebuilt; emitter-appended) ---
"""Pipeline reference for scband-virtualnode-net-17274358465226 (READ-ONLY COPY).

The authoritative reference and input builder live on the scoring server;
editing this copy changes nothing except your own understanding.
"""

import jax, jax.numpy as jnp
import numpy as np

N = 10000
E = 320000
H = 128
DE = 16
L = 3
G = 128
NC = 10


def setup_inputs(seed: int = 0) -> dict:
    key = jax.random.key(seed)
    ks = jax.random.split(key, 16)
    x = jnp.zeros((N,), dtype=jnp.int32)
    edge_index = jax.random.randint(ks[0], (2, E), 0, N, dtype=jnp.int32)
    edge_attr = jax.random.normal(ks[1], (E, DE), dtype=jnp.float32)
    batch = jnp.sort(jax.random.randint(ks[2], (N,), 0, G, dtype=jnp.int32))
    node_emb = jax.random.normal(ks[3], (1, H), dtype=jnp.float32) * 0.1
    vn_emb = jnp.zeros((1, H), dtype=jnp.float32)
    We = jax.random.normal(ks[4], (L, DE, H), dtype=jnp.float32) * 0.1
    be = jnp.zeros((L, H), dtype=jnp.float32)
    W1 = jax.random.normal(ks[5], (L, H, 2 * H), dtype=jnp.float32) * 0.1
    b1 = jnp.zeros((L, 2 * H), dtype=jnp.float32)
    g1 = jnp.ones((L, 2 * H), dtype=jnp.float32)
    bt1 = jnp.zeros((L, 2 * H), dtype=jnp.float32)
    W2 = jax.random.normal(ks[6], (L, 2 * H, H), dtype=jnp.float32) * 0.1
    b2 = jnp.zeros((L, H), dtype=jnp.float32)
    V1 = jax.random.normal(ks[7], (L - 1, H, 2 * H), dtype=jnp.float32) * 0.1
    c1 = jnp.zeros((L - 1, 2 * H), dtype=jnp.float32)
    vg1 = jnp.ones((L - 1, 2 * H), dtype=jnp.float32)
    vb1 = jnp.zeros((L - 1, 2 * H), dtype=jnp.float32)
    pa1 = jnp.full((L - 1,), 0.25, dtype=jnp.float32)
    V2 = jax.random.normal(ks[8], (L - 1, 2 * H, H), dtype=jnp.float32) * 0.1
    c2 = jnp.zeros((L - 1, H), dtype=jnp.float32)
    vg2 = jnp.ones((L - 1, H), dtype=jnp.float32)
    vb2 = jnp.zeros((L - 1, H), dtype=jnp.float32)
    pa2 = jnp.full((L - 1,), 0.25, dtype=jnp.float32)
    Wg = jax.random.normal(ks[9], (H, NC), dtype=jnp.float32) * 0.1
    bg = jnp.zeros((NC,), dtype=jnp.float32)
    return {
        'x': x, 'edge_index': edge_index, 'edge_attr': edge_attr, 'batch': batch,
        'node_emb': node_emb, 'vn_emb': vn_emb,
        'We': We, 'be': be, 'W1': W1, 'b1': b1, 'g1': g1, 'bt1': bt1, 'W2': W2, 'b2': b2,
        'V1': V1, 'c1': c1, 'vg1': vg1, 'vb1': vb1, 'pa1': pa1,
        'V2': V2, 'c2': c2, 'vg2': vg2, 'vb2': vb2, 'pa2': pa2,
        'Wg': Wg, 'bg': bg,
    }


def _bn(z, g, b):
    # BatchNorm1d in eval mode with running_mean=0, running_var=1
    return z / jnp.sqrt(1.0 + 1e-5) * g + b


def _prelu(z, a):
    return jnp.where(z >= 0, z, a * z)


def reference(x, edge_index, edge_attr, batch, node_emb, vn_emb, We, be, W1, b1, g1, bt1, W2, b2, V1, c1, vg1, vb1, pa1, V2, c2, vg2, vb2, pa2, Wg, bg):
    n = x.shape[0]
    num_graphs = G
    src = edge_index[0]
    dst = edge_index[1]
    # node_encoder(x)
    xs = [jnp.take(node_emb, x, axis=0)]
    # virtualnode_embedding(zeros(num_graphs))
    vn = jnp.take(vn_emb, jnp.zeros((num_graphs,), dtype=jnp.int32), axis=0)
    for i in range(L):
        xs[i] = xs[i] + vn[batch]
        # GinConv: msg = relu(x_j + bond_encoder(edge_attr)); sum-aggregate; MLP(aggr + x)
        e = edge_attr @ We[i] + be[i]
        msg = jax.nn.relu(xs[i][src] + e)
        aggr = jax.ops.segment_sum(msg, dst, num_segments=n)
        z = (aggr + xs[i]) @ W1[i] + b1[i]
        z = jax.nn.relu(_bn(z, g1[i], bt1[i]))
        z = z @ W2[i] + b2[i]
        xs.append(z)
        if i < L - 1:
            vt = jax.ops.segment_sum(xs[i], batch, num_segments=num_graphs) + vn
            u = _prelu(_bn(vt @ V1[i] + c1[i], vg1[i], vb1[i]), pa1[i])
            u = _prelu(_bn(u @ V2[i] + c2[i], vg2[i], vb2[i]), pa2[i])
            vn = u  # dropout p=0 / eval -> identity
    nr = xs[-1]  # JK = 'last'
    cnt = jax.ops.segment_sum(jnp.ones((n,), dtype=nr.dtype), batch, num_segments=num_graphs)
    hg = jax.ops.segment_sum(nr, batch, num_segments=num_graphs) / jnp.maximum(cnt, 1.0)[:, None]
    return (hg @ Wg + bg) / 1.0

if __name__ == "__main__":
    import jax
    _d = setup_inputs()
    print(jax.jit(kernel)(*tuple(_d.values())))

</pallas_src>

<mosaic_0001>
#map = affine_map<(d0, d1) -> (0, 0)>
#map1 = affine_map<(d0, d1) -> (0)>
#map2 = affine_map<(d0, d1) -> (0, 0, 0)>
module attributes {stable_mosaic.version = 14 : i64} {
  func.func @_edge_body(%arg0: i32, %arg1: i32, %arg2: memref<10000x128xf32, #tpu.memory_space<hbm>>, %arg3: memref<323584x128xf32, #tpu.memory_space<hbm>>, %arg4: memref<323584xi32, #tpu.memory_space<hbm>>, %arg5: memref<2528x128xi32, #tpu.memory_space<hbm>>, %arg6: memref<10112x128xf32, #tpu.memory_space<hbm>>, %arg7: memref<2x10112x128xf32, #tpu.memory_space<hbm>>, %arg8: memref<128xi32, #tpu.memory_space<vmem>>, %arg9: memref<1x128xi32, #tpu.memory_space<vmem>>, %arg10: memref<128x128xf32, #tpu.memory_space<vmem>>, %arg11: memref<128x128xf32, #tpu.memory_space<vmem>>, %arg12: memref<10112x128xf32, #tpu.memory_space<vmem_shared>>, %arg13: memref<!tpu.dma_semaphore, #tpu.memory_space<semaphore_mem>>) attributes {dimension_semantics = [#tpu.dimension_semantics<core_parallel>, #tpu.dimension_semantics<subcore_parallel>], iteration_bounds = array<i64: 2, 16>, scalar_prefetch = 0 : i64, scratch_operands = 6 : i64, tpu.core_type = #tpu.core_type<sc_vector_subcore>, window_params = [{transform_indices = #map}, {transform_indices = #map}, {transform_indices = #map1}, {transform_indices = #map}, {transform_indices = #map}, {transform_indices = #map2}]} {
    %mul3A = arith.constant 16 : i32
    %mul3A_0 = arith.muli %arg0, %mul3A : i32
    %add3A = arith.addi %mul3A_0, %arg1 : i32
    %mul3A_1 = arith.constant 632 : i32
    %mul3A_2 = arith.muli %arg1, %mul3A_1 : i32
    "tpu.region"() ({
      %run_scoped3A = tpu.sem_alloc : memref<!tpu.dma_semaphore, #tpu.memory_space<semaphore_mem>>
      %dma_start3A = arith.constant 0 : i32
      %dma_start3A_11 = tpu.memref_slice %arg12[%mul3A_2, %dma_start3A] : memref<10112x128xf32, #tpu.memory_space<vmem_shared>> -> memref<632x128xf32, #tpu.memory_space<vmem_shared>>
      %dma_start3A_12 = arith.constant 0 : i32
      %dma_start3A_13 = tpu.memref_slice %arg6[%mul3A_2, %dma_start3A_12] : memref<10112x128xf32, #tpu.memory_space<hbm>> -> memref<632x128xf32, #tpu.memory_space<hbm>>
      tpu.enqueue_dma source(%dma_start3A_13 : memref<632x128xf32, #tpu.memory_space<hbm>>) target(%dma_start3A_11 : memref<632x128xf32, #tpu.memory_space<vmem_shared>>) target_semaphore(%run_scoped3A : memref<!tpu.dma_semaphore, #tpu.memory_space<semaphore_mem>>)
      %dma_wait3A = arith.constant 0 : i32
      %dma_wait3A_14 = tpu.memref_slice %arg12[%mul3A_2, %dma_wait3A] : memref<10112x128xf32, #tpu.memory_space<vmem_shared>> -> memref<632x128xf32, #tpu.memory_space<vmem_shared>>
      %dma_wait3A_15 = arith.constant 0 : i32
      %dma_wait3A_16 = tpu.memref_slice %arg6[%mul3A_2, %dma_wait3A_15] : memref<10112x128xf32, #tpu.memory_space<hbm>> -> memref<632x128xf32, #tpu.memory_space<hbm>>
      tpu.wait_dma2 semaphore(%run_scoped3A : memref<!tpu.dma_semaphore, #tpu.memory_space<semaphore_mem>>) src(%dma_wait3A_16 : memref<632x128xf32, #tpu.memory_space<hbm>>) dst(%dma_wait3A_14 : memref<632x128xf32, #tpu.memory_space<vmem_shared>>)
      tpu.yield
    }) : () -> ()
    %barrier3A = arith.constant 0 : index
    tpu.barrier barrier_id(%barrier3A)
    %mul3A_3 = arith.constant 79 : i32
    %mul3A_4 = arith.muli %add3A, %mul3A_3 : i32
    %scan3A = arith.constant 0 : i32
    %scan3A_5 = arith.constant 0 : i32
    %scan3A_6 = arith.constant 79 : i32
    %scan3A_7 = arith.addi %scan3A_5, %scan3A_6 : i32
    %scan3A_8 = arith.constant 1 : i32
    scf.for %scan3A_11 = %scan3A_5 to %scan3A_7 step %scan3A_8  : i32 {
      %add3A_12 = arith.addi %mul3A_4, %scan3A_11 : i32
      %mul3A_13 = arith.constant 128 : i32
      %mul3A_14 = arith.muli %add3A_12, %mul3A_13 : i32
      "tpu.region"() ({
        %run_scoped3A_27 = tpu.sem_alloc : memref<!tpu.dma_semaphore, #tpu.memory_space<semaphore_mem>>
        %dma_start3A_28 = tpu.memref_slice %arg4[%mul3A_14] : memref<323584xi32, #tpu.memory_space<hbm>> -> memref<128xi32, #tpu.memory_space<hbm>>
        %dma_start3A_29 = tpu.memref_slice %arg4[%mul3A_14] : memref<323584xi32, #tpu.memory_space<hbm>> -> memref<128xi32, #tpu.memory_space<hbm>>
        tpu.enqueue_dma source(%dma_start3A_29 : memref<128xi32, #tpu.memory_space<hbm>>) target(%arg8 : memref<128xi32, #tpu.memory_space<vmem>>) target_semaphore(%run_scoped3A_27 : memref<!tpu.dma_semaphore, #tpu.memory_space<semaphore_mem>>)
        %dma_wait3A_30 = tpu.memref_slice %arg4[%mul3A_14] : memref<323584xi32, #tpu.memory_space<hbm>> -> memref<128xi32, #tpu.memory_space<hbm>>
        %dma_wait3A_31 = tpu.memref_slice %arg4[%mul3A_14] : memref<323584xi32, #tpu.memory_space<hbm>> -> memref<128xi32, #tpu.memory_space<hbm>>
        tpu.wait_dma2 semaphore(%run_scoped3A_27 : memref<!tpu.dma_semaphore, #tpu.memory_space<semaphore_mem>>) src(%dma_wait3A_31 : memref<128xi32, #tpu.memory_space<hbm>>) dst(%arg8 : memref<128xi32, #tpu.memory_space<vmem>>)
        tpu.yield
      }) : () -> ()
      "tpu.region"() ({
        %run_scoped3A_27 = tpu.sem_alloc : memref<!tpu.dma_semaphore, #tpu.memory_space<semaphore_mem>>
        %dma_start3A_28 = arith.constant 0 : i32
        %dma_start3A_29 = tpu.memref_slice %arg5[%add3A_12, %dma_start3A_28] : memref<2528x128xi32, #tpu.memory_space<hbm>> -> memref<1x128xi32, #tpu.memory_space<hbm>>
        %dma_start3A_30 = arith.constant 0 : i32
        %dma_start3A_31 = tpu.memref_slice %arg5[%add3A_12, %dma_start3A_30] : memref<2528x128xi32, #tpu.memory_space<hbm>> -> memref<1x128xi32, #tpu.memory_space<hbm>>
        tpu.enqueue_dma source(%dma_start3A_31 : memref<1x128xi32, #tpu.memory_space<hbm>>) target(%arg9 : memref<1x128xi32, #tpu.memory_space<vmem>>) target_semaphore(%run_scoped3A_27 : memref<!tpu.dma_semaphore, #tpu.memory_space<semaphore_mem>>)
        %dma_wait3A_32 = arith.constant 0 : i32
        %dma_wait3A_33 = tpu.memref_slice %arg5[%add3A_12, %dma_wait3A_32] : memref<2528x128xi32, #tpu.memory_space<hbm>> -> memref<1x128xi32, #tpu.memory_space<hbm>>
        %dma_wait3A_34 = arith.constant 0 : i32
        %dma_wait3A_35 = tpu.memref_slice %arg5[%add3A_12, %dma_wait3A_34] : memref<2528x128xi32, #tpu.memory_space<hbm>> -> memref<1x128xi32, #tpu.memory_space<hbm>>
        tpu.wait_dma2 semaphore(%run_scoped3A_27 : memref<!tpu.dma_semaphore, #tpu.memory_space<semaphore_mem>>) src(%dma_wait3A_35 : memref<1x128xi32, #tpu.memory_space<hbm>>) dst(%arg9 : memref<1x128xi32, #tpu.memory_space<vmem>>)
        tpu.yield
      }) : () -> ()
      %dma_start3A = arith.constant 0 : i32
      %dma_start3A_15 = arith.constant 0 : i32
      %dma_start3A_16 = tpu.memref_slice %arg2[%dma_start3A, %dma_start3A_15] : memref<10000x128xf32, #tpu.memory_space<hbm>> -> memref<10000x128xf32, #tpu.memory_space<hbm>>
      tpu.enqueue_indirect_dma source(%dma_start3A_16 : memref<10000x128xf32, #tpu.memory_space<hbm>>) target(%arg10 : memref<128x128xf32, #tpu.memory_space<vmem>>) offsets(%arg8 : memref<128xi32, #tpu.memory_space<vmem>>) semaphore(%arg13 : memref<!tpu.dma_semaphore, #tpu.memory_space<semaphore_mem>>)
      %dma_wait3A = arith.constant 0 : i32
      %dma_wait3A_17 = arith.constant 0 : i32
      %dma_wait3A_18 = tpu.memref_slice %arg2[%dma_wait3A, %dma_wait3A_17] : memref<10000x128xf32, #tpu.memory_space<hbm>> -> memref<10000x128xf32, #tpu.memory_space<hbm>>
      tpu.wait_indirect_dma semaphore(%arg13 : memref<!tpu.dma_semaphore, #tpu.memory_space<semaphore_mem>>) src(%dma_wait3A_18 : memref<10000x128xf32, #tpu.memory_space<hbm>>) dst(%arg10 : memref<128x128xf32, #tpu.memory_space<vmem>>)
      %mul3A_19 = arith.constant 128 : i32
      %mul3A_20 = arith.muli %add3A_12, %mul3A_19 : i32
      "tpu.region"() ({
        %run_scoped3A_27 = tpu.sem_alloc : memref<!tpu.dma_semaphore, #tpu.memory_space<semaphore_mem>>
        %dma_start3A_28 = arith.constant 0 : i32
        %dma_start3A_29 = tpu.memref_slice %arg3[%mul3A_20, %dma_start3A_28] : memref<323584x128xf32, #tpu.memory_space<hbm>> -> memref<128x128xf32, #tpu.memory_space<hbm>>
        %dma_start3A_30 = arith.constant 0 : i32
        %dma_start3A_31 = tpu.memref_slice %arg3[%mul3A_20, %dma_start3A_30] : memref<323584x128xf32, #tpu.memory_space<hbm>> -> memref<128x128xf32, #tpu.memory_space<hbm>>
        tpu.enqueue_dma source(%dma_start3A_31 : memref<128x128xf32, #tpu.memory_space<hbm>>) target(%arg11 : memref<128x128xf32, #tpu.memory_space<vmem>>) target_semaphore(%run_scoped3A_27 : memref<!tpu.dma_semaphore, #tpu.memory_space<semaphore_mem>>)
        %dma_wait3A_32 = arith.constant 0 : i32
        %dma_wait3A_33 = tpu.memref_slice %arg3[%mul3A_20, %dma_wait3A_32] : memref<323584x128xf32, #tpu.memory_space<hbm>> -> memref<128x128xf32, #tpu.memory_space<hbm>>
        %dma_wait3A_34 = arith.constant 0 : i32
        %dma_wait3A_35 = tpu.memref_slice %arg3[%mul3A_20, %dma_wait3A_34] : memref<323584x128xf32, #tpu.memory_space<hbm>> -> memref<128x128xf32, #tpu.memory_space<hbm>>
        tpu.wait_dma2 semaphore(%run_scoped3A_27 : memref<!tpu.dma_semaphore, #tpu.memory_space<semaphore_mem>>) src(%dma_wait3A_35 : memref<128x128xf32, #tpu.memory_space<hbm>>) dst(%arg11 : memref<128x128xf32, #tpu.memory_space<vmem>>)
        tpu.yield
      }) : () -> ()
      %scan3A_21 = arith.constant 0 : i32
      %scan3A_22 = arith.constant 0 : i32
      %scan3A_23 = arith.constant 128 : i32
      %scan3A_24 = arith.addi %scan3A_22, %scan3A_23 : i32
      %scan3A_25 = arith.constant 1 : i32
      scf.for %scan3A_27 = %scan3A_22 to %scan3A_24 step %scan3A_25  : i32 {
        %get3A = arith.index_cast %scan3A_27 : i32 to index
        %get3A_28 = arith.constant 0 : index
        %get3A_29 = tpu.vector_load %arg10[%get3A, %get3A_28] {strides = array<i32>} : memref<128x128xf32, #tpu.memory_space<vmem>>, vector<1x16xf32>,
        %get3A_30 = vector.shape_cast %get3A_29 : vector<1x16xf32> to vector<16xf32>
        %get3A_31 = arith.index_cast %scan3A_27 : i32 to index
        %get3A_32 = arith.constant 0 : index
        %get3A_33 = tpu.vector_load %arg11[%get3A_31, %get3A_32] {strides = array<i32>} : memref<128x128xf32, #tpu.memory_space<vmem>>, vector<1x16xf32>,
        %get3A_34 = vector.shape_cast %get3A_33 : vector<1x16xf32> to vector<16xf32>
        %add3A_35 = arith.addf %get3A_30, %get3A_34 : vector<16xf32>
        %max3A = arith.constant 0.000000e+00 : f32
        %max3A_36 = vector.broadcast %max3A : f32 to vector<16xf32>
        %max3A_37 = arith.maximumf %add3A_35, %max3A_36 : vector<16xf32>
        %swap3A = arith.index_cast %scan3A_27 : i32 to index
        %swap3A_38 = arith.constant 0 : index
        %swap3A_39 = tpu.vector_load %arg10[%swap3A, %swap3A_38] {strides = array<i32>} : memref<128x128xf32, #tpu.memory_space<vmem>>, vector<1x16xf32>,
        %swap3A_40 = vector.shape_cast %swap3A_39 : vector<1x16xf32> to vector<16xf32>
        %swap3A_41 = vector.shape_cast %max3A_37 : vector<16xf32> to vector<1x16xf32>
        tpu.vector_store %arg10[%swap3A, %swap3A_38], %swap3A_41 {strides = array<i32>} : memref<128x128xf32, #tpu.memory_space<vmem>>, vector<1x16xf32>,
        %get3A_42 = arith.index_cast %scan3A_27 : i32 to index
        %get3A_43 = arith.constant 16 : index
        %get3A_44 = tpu.vector_load %arg10[%get3A_42, %get3A_43] {strides = array<i32>} : memref<128x128xf32, #tpu.memory_space<vmem>>, vector<1x16xf32>,
        %get3A_45 = vector.shape_cast %get3A_44 : vector<1x16xf32> to vector<16xf32>
        %get3A_46 = arith.index_cast %scan3A_27 : i32 to index
        %get3A_47 = arith.constant 16 : index
        %get3A_48 = tpu.vector_load %arg11[%get3A_46, %get3A_47] {strides = array<i32>} : memref<128x128xf32, #tpu.memory_space<vmem>>, vector<1x16xf32>,
        %get3A_49 = vector.shape_cast %get3A_48 : vector<1x16xf32> to vector<16xf32>
        %add3A_50 = arith.addf %get3A_45, %get3A_49 : vector<16xf32>
        %max3A_51 = arith.constant 0.000000e+00 : f32
        %max3A_52 = vector.broadcast %max3A_51 : f32 to vector<16xf32>
        %max3A_53 = arith.maximumf %add3A_50, %max3A_52 : vector<16xf32>
        %swap3A_54 = arith.index_cast %scan3A_27 : i32 to index
        %swap3A_55 = arith.constant 16 : index
        %swap3A_56 = tpu.vector_load %arg10[%swap3A_54, %swap3A_55] {strides = array<i32>} : memref<128x128xf32, #tpu.memory_space<vmem>>, vector<1x16xf32>,
        %swap3A_57 = vector.shape_cast %swap3A_56 : vector<1x16xf32> to vector<16xf32>
        %swap3A_58 = vector.shape_cast %max3A_53 : vector<16xf32> to vector<1x16xf32>
        tpu.vector_store %arg10[%swap3A_54, %swap3A_55], %swap3A_58 {strides = array<i32>} : memref<128x128xf32, #tpu.memory_space<vmem>>, vector<1x16xf32>,
        %get3A_59 = arith.index_cast %scan3A_27 : i32 to index
        %get3A_60 = arith.constant 32 : index
        %get3A_61 = tpu.vector_load %arg10[%get3A_59, %get3A_60] {strides = array<i32>} : memref<128x128xf32, #tpu.memory_space<vmem>>, vector<1x16xf32>,
        %get3A_62 = vector.shape_cast %get3A_61 : vector<1x16xf32> to vector<16xf32>
        %get3A_63 = arith.index_cast %scan3A_27 : i32 to index
        %get3A_64 = arith.constant 32 : index
        %get3A_65 = tpu.vector_load %arg11[%get3A_63, %get3A_64] {strides = array<i32>} : memref<128x128xf32, #tpu.memory_space<vmem>>, vector<1x16xf32>,
        %get3A_66 = vector.shape_cast %get3A_65 : vector<1x16xf32> to vector<16xf32>
        %add3A_67 = arith.addf %get3A_62, %get3A_66 : vector<16xf32>
        %max3A_68 = arith.constant 0.000000e+00 : f32
        %max3A_69 = vector.broadcast %max3A_68 : f32 to vector<16xf32>
        %max3A_70 = arith.maximumf %add3A_67, %max3A_69 : vector<16xf32>
        %swap3A_71 = arith.index_cast %scan3A_27 : i32 to index
        %swap3A_72 = arith.constant 32 : index
        %swap3A_73 = tpu.vector_load %arg10[%swap3A_71, %swap3A_72] {strides = array<i32>} : memref<128x128xf32, #tpu.memory_space<vmem>>, vector<1x16xf32>,
        %swap3A_74 = vector.shape_cast %swap3A_73 : vector<1x16xf32> to vector<16xf32>
        %swap3A_75 = vector.shape_cast %max3A_70 : vector<16xf32> to vector<1x16xf32>
        tpu.vector_store %arg10[%swap3A_71, %swap3A_72], %swap3A_75 {strides = array<i32>} : memref<128x128xf32, #tpu.memory_space<vmem>>, vector<1x16xf32>,
        %get3A_76 = arith.index_cast %scan3A_27 : i32 to index
        %get3A_77 = arith.constant 48 : index
        %get3A_78 = tpu.vector_load %arg10[%get3A_76, %get3A_77] {strides = array<i32>} : memref<128x128xf32, #tpu.memory_space<vmem>>, vector<1x16xf32>,
        %get3A_79 = vector.shape_cast %get3A_78 : vector<1x16xf32> to vector<16xf32>
        %get3A_80 = arith.index_cast %scan3A_27 : i32 to index
        %get3A_81 = arith.constant 48 : index
        %get3A_82 = tpu.vector_load %arg11[%get3A_80, %get3A_81] {strides = array<i32>} : memref<128x128xf32, #tpu.memory_space<vmem>>, vector<1x16xf32>,
        %get3A_83 = vector.shape_cast %get3A_82 : vector<1x16xf32> to vector<16xf32>
        %add3A_84 = arith.addf %get3A_79, %get3A_83 : vector<16xf32>
        %max3A_85 = arith.constant 0.000000e+00 : f32
        %max3A_86 = vector.broadcast %max3A_85 : f32 to vector<16xf32>
        %max3A_87 = arith.maximumf %add3A_84, %max3A_86 : vector<16xf32>
        %swap3A_88 = arith.index_cast %scan3A_27 : i32 to index
        %swap3A_89 = arith.constant 48 : index
        %swap3A_90 = tpu.vector_load %arg10[%swap3A_88, %swap3A_89] {strides = array<i32>} : memref<128x128xf32, #tpu.memory_space<vmem>>, vector<1x16xf32>,
        %swap3A_91 = vector.shape_cast %swap3A_90 : vector<1x16xf32> to vector<16xf32>
        %swap3A_92 = vector.shape_cast %max3A_87 : vector<16xf32> to vector<1x16xf32>
        tpu.vector_store %arg10[%swap3A_88, %swap3A_89], %swap3A_92 {strides = array<i32>} : memref<128x128xf32, #tpu.memory_space<vmem>>, vector<1x16xf32>,
        %get3A_93 = arith.index_cast %scan3A_27 : i32 to index
        %get3A_94 = arith.constant 64 : index
        %get3A_95 = tpu.vector_load %arg10[%get3A_93, %get3A_94] {strides = array<i32>} : memref<128x128xf32, #tpu.memory_space<vmem>>, vector<1x16xf32>,
        %get3A_96 = vector.shape_cast %get3A_95 : vector<1x16xf32> to vector<16xf32>
        %get3A_97 = arith.index_cast %scan3A_27 : i32 to index
        %get3A_98 = arith.constant 64 : index
        %get3A_99 = tpu.vector_load %arg11[%get3A_97, %get3A_98] {strides = array<i32>} : memref<128x128xf32, #tpu.memory_space<vmem>>, vector<1x16xf32>,
        %get3A_100 = vector.shape_cast %get3A_99 : vector<1x16xf32> to vector<16xf32>
        %add3A_101 = arith.addf %get3A_96, %get3A_100 : vector<16xf32>
        %max3A_102 = arith.constant 0.000000e+00 : f32
        %max3A_103 = vector.broadcast %max3A_102 : f32 to vector<16xf32>
        %max3A_104 = arith.maximumf %add3A_101, %max3A_103 : vector<16xf32>
        %swap3A_105 = arith.index_cast %scan3A_27 : i32 to index
        %swap3A_106 = arith.constant 64 : index
        %swap3A_107 = tpu.vector_load %arg10[%swap3A_105, %swap3A_106] {strides = array<i32>} : memref<128x128xf32, #tpu.memory_space<vmem>>, vector<1x16xf32>,
        %swap3A_108 = vector.shape_cast %swap3A_107 : vector<1x16xf32> to vector<16xf32>
        %swap3A_109 = vector.shape_cast %max3A_104 : vector<16xf32> to vector<1x16xf32>
        tpu.vector_store %arg10[%swap3A_105, %swap3A_106], %swap3A_109 {strides = array<i32>} : memref<128x128xf32, #tpu.memory_space<vmem>>, vector<1x16xf32>,
        %get3A_110 = arith.index_cast %scan3A_27 : i32 to index
        %get3A_111 = arith.constant 80 : index
        %get3A_112 = tpu.vector_load %arg10[%get3A_110, %get3A_111] {strides = array<i32>} : memref<128x128xf32, #tpu.memory_space<vmem>>, vector<1x16xf32>,
        %get3A_113 = vector.shape_cast %get3A_112 : vector<1x16xf32> to vector<16xf32>
        %get3A_114 = arith.index_cast %scan3A_27 : i32 to index
        %get3A_115 = arith.constant 80 : index
        %get3A_116 = tpu.vector_load %arg11[%get3A_114, %get3A_115] {strides = array<i32>} : memref<128x128xf32, #tpu.memory_space<vmem>>, vector<1x16xf32>,
        %get3A_117 = vector.shape_cast %get3A_116 : vector<1x16xf32> to vector<16xf32>
        %add3A_118 = arith.addf %get3A_113, %get3A_117 : vector<16xf32>
        %max3A_119 = arith.constant 0.000000e+00 : f32
        %max3A_120 = vector.broadcast %max3A_119 : f32 to vector<16xf32>
        %max3A_121 = arith.maximumf %add3A_118, %max3A_120 : vector<16xf32>
        %swap3A_122 = arith.index_cast %scan3A_27 : i32 to index
        %swap3A_123 = arith.constant 80 : index
        %swap3A_124 = tpu.vector_load %arg10[%swap3A_122, %swap3A_123] {strides = array<i32>} : memref<128x128xf32, #tpu.memory_space<vmem>>, vector<1x16xf32>,
        %swap3A_125 = vector.shape_cast %swap3A_124 : vector<1x16xf32> to vector<16xf32>
        %swap3A_126 = vector.shape_cast %max3A_121 : vector<16xf32> to vector<1x16xf32>
        tpu.vector_store %arg10[%swap3A_122, %swap3A_123], %swap3A_126 {strides = array<i32>} : memref<128x128xf32, #tpu.memory_space<vmem>>, vector<1x16xf32>,
        %get3A_127 = arith.index_cast %scan3A_27 : i32 to index
        %get3A_128 = arith.constant 96 : index
        %get3A_129 = tpu.vector_load %arg10[%get3A_127, %get3A_128] {strides = array<i32>} : memref<128x128xf32, #tpu.memory_space<vmem>>, vector<1x16xf32>,
        %get3A_130 = vector.shape_cast %get3A_129 : vector<1x16xf32> to vector<16xf32>
        %get3A_131 = arith.index_cast %scan3A_27 : i32 to index
        %get3A_132 = arith.constant 96 : index
        %get3A_133 = tpu.vector_load %arg11[%get3A_131, %get3A_132] {strides = array<i32>} : memref<128x128xf32, #tpu.memory_space<vmem>>, vector<1x16xf32>,
        %get3A_134 = vector.shape_cast %get3A_133 : vector<1x16xf32> to vector<16xf32>
        %add3A_135 = arith.addf %get3A_130, %get3A_134 : vector<16xf32>
        %max3A_136 = arith.constant 0.000000e+00 : f32
        %max3A_137 = vector.broadcast %max3A_136 : f32 to vector<16xf32>
        %max3A_138 = arith.maximumf %add3A_135, %max3A_137 : vector<16xf32>
        %swap3A_139 = arith.index_cast %scan3A_27 : i32 to index
        %swap3A_140 = arith.constant 96 : index
        %swap3A_141 = tpu.vector_load %arg10[%swap3A_139, %swap3A_140] {strides = array<i32>} : memref<128x128xf32, #tpu.memory_space<vmem>>, vector<1x16xf32>,
        %swap3A_142 = vector.shape_cast %swap3A_141 : vector<1x16xf32> to vector<16xf32>
        %swap3A_143 = vector.shape_cast %max3A_138 : vector<16xf32> to vector<1x16xf32>
        tpu.vector_store %arg10[%swap3A_139, %swap3A_140], %swap3A_143 {strides = array<i32>} : memref<128x128xf32, #tpu.memory_space<vmem>>, vector<1x16xf32>,
        %get3A_144 = arith.index_cast %scan3A_27 : i32 to index
        %get3A_145 = arith.constant 112 : index
        %get3A_146 = tpu.vector_load %arg10[%get3A_144, %get3A_145] {strides = array<i32>} : memref<128x128xf32, #tpu.memory_space<vmem>>, vector<1x16xf32>,
        %get3A_147 = vector.shape_cast %get3A_146 : vector<1x16xf32> to vector<16xf32>
        %get3A_148 = arith.index_cast %scan3A_27 : i32 to index
        %get3A_149 = arith.constant 112 : index
        %get3A_150 = tpu.vector_load %arg11[%get3A_148, %get3A_149] {strides = array<i32>} : memref<128x128xf32, #tpu.memory_space<vmem>>, vector<1x16xf32>,
        %get3A_151 = vector.shape_cast %get3A_150 : vector<1x16xf32> to vector<16xf32>
        %add3A_152 = arith.addf %get3A_147, %get3A_151 : vector<16xf32>
        %max3A_153 = arith.constant 0.000000e+00 : f32
        %max3A_154 = vector.broadcast %max3A_153 : f32 to vector<16xf32>
        %max3A_155 = arith.maximumf %add3A_152, %max3A_154 : vector<16xf32>
        %swap3A_156 = arith.index_cast %scan3A_27 : i32 to index
        %swap3A_157 = arith.constant 112 : index
        %swap3A_158 = tpu.vector_load %arg10[%swap3A_156, %swap3A_157] {strides = array<i32>} : memref<128x128xf32, #tpu.memory_space<vmem>>, vector<1x16xf32>,
        %swap3A_159 = vector.shape_cast %swap3A_158 : vector<1x16xf32> to vector<16xf32>
        %swap3A_160 = vector.shape_cast %max3A_155 : vector<16xf32> to vector<1x16xf32>
        tpu.vector_store %arg10[%swap3A_156, %swap3A_157], %swap3A_160 {strides = array<i32>} : memref<128x128xf32, #tpu.memory_space<vmem>>, vector<1x16xf32>,
      }
      %scan3A_26 = arith.constant 128 : i32
      %run_scoped3A = arith.constant 0 : i32
      "tpu.region"() ({
        %run_scoped3A_27 = tpu.sem_alloc : memref<!tpu.dma_semaphore, #tpu.memory_space<semaphore_mem>>
        %dma_start3A_28 = arith.constant 0 : i32
        %dma_start3A_29 = tpu.memref_slice %arg9[%run_scoped3A, %dma_start3A_28] : memref<1x128xi32, #tpu.memory_space<vmem>> -> memref<1x128xi32, #tpu.memory_space<vmem>>
        %dma_start3A_30 = tpu.memref_squeeze %dma_start3A_29 : memref<1x128xi32, #tpu.memory_space<vmem>> -> memref<128xi32, #tpu.memory_space<vmem>>
        %dma_start3A_31 = arith.constant 0 : i32
        %dma_start3A_32 = arith.constant 0 : i32
        %dma_start3A_33 = tpu.memref_slice %arg12[%dma_start3A_31, %dma_start3A_32] : memref<10112x128xf32, #tpu.memory_space<vmem_shared>> -> memref<10112x128xf32, #tpu.memory_space<vmem_shared>>
        tpu.enqueue_indirect_dma source(%arg10 : memref<128x128xf32, #tpu.memory_space<vmem>>) target(%dma_start3A_33 : memref<10112x128xf32, #tpu.memory_space<vmem_shared>>) offsets(%dma_start3A_30 : memref<128xi32, #tpu.memory_space<vmem>>) semaphore(%run_scoped3A_27 : memref<!tpu.dma_semaphore, #tpu.memory_space<semaphore_mem>>) {add = true}
        %dma_wait3A_34 = arith.constant 0 : i32
        %dma_wait3A_35 = tpu.memref_slice %arg9[%run_scoped3A, %dma_wait3A_34] : memref<1x128xi32, #tpu.memory_space<vmem>> -> memref<1x128xi32, #tpu.memory_space<vmem>>
        %dma_wait3A_36 = tpu.memref_squeeze %dma_wait3A_35 : memref<1x128xi32, #tpu.memory_space<vmem>> -> memref<128xi32, #tpu.memory_space<vmem>>
        %dma_wait3A_37 = arith.constant 0 : i32
        %dma_wait3A_38 = arith.constant 0 : i32
        %dma_wait3A_39 = tpu.memref_slice %arg12[%dma_wait3A_37, %dma_wait3A_38] : memref<10112x128xf32, #tpu.memory_space<vmem_shared>> -> memref<10112x128xf32, #tpu.memory_space<vmem_shared>>
        tpu.wait_indirect_dma semaphore(%run_scoped3A_27 : memref<!tpu.dma_semaphore, #tpu.memory_space<semaphore_mem>>) src(%arg10 : memref<128x128xf32, #tpu.memory_space<vmem>>) dst(%dma_wait3A_39 : memref<10112x128xf32, #tpu.memory_space<vmem_shared>>)
        tpu.yield
      }) : () -> ()
    }
    %scan3A_9 = arith.constant 79 : i32
    %barrier3A_10 = arith.constant 0 : index
    tpu.barrier barrier_id(%barrier3A_10)
    "tpu.region"() ({
      %run_scoped3A = tpu.sem_alloc : memref<!tpu.dma_semaphore, #tpu.memory_space<semaphore_mem>>
      %dma_start3A = arith.constant 0 : i32
      %dma_start3A_11 = tpu.memref_slice %arg7[%arg0, %mul3A_2, %dma_start3A] : memref<2x10112x128xf32, #tpu.memory_space<hbm>> -> memref<1x632x128xf32, #tpu.memory_space<hbm>>
      %dma_start3A_12 = tpu.memref_squeeze %dma_start3A_11 : memref<1x632x128xf32, #tpu.memory_space<hbm>> -> memref<632x128xf32, #tpu.memory_space<hbm>>
      %dma_start3A_13 = arith.constant 0 : i32
      %dma_start3A_14 = tpu.memref_slice %arg12[%mul3A_2, %dma_start3A_13] : memref<10112x128xf32, #tpu.memory_space<vmem_shared>> -> memref<632x128xf32, #tpu.memory_space<vmem_shared>>
      tpu.enqueue_dma source(%dma_start3A_14 : memref<632x128xf32, #tpu.memory_space<vmem_shared>>) target(%dma_start3A_12 : memref<632x128xf32, #tpu.memory_space<hbm>>) target_semaphore(%run_scoped3A : memref<!tpu.dma_semaphore, #tpu.memory_space<semaphore_mem>>)
      %dma_wait3A = arith.constant 0 : i32
      %dma_wait3A_15 = tpu.memref_slice %arg7[%arg0, %mul3A_2, %dma_wait3A] : memref<2x10112x128xf32, #tpu.memory_space<hbm>> -> memref<1x632x128xf32, #tpu.memory_space<hbm>>
      %dma_wait3A_16 = tpu.memref_squeeze %dma_wait3A_15 : memref<1x632x128xf32, #tpu.memory_space<hbm>> -> memref<632x128xf32, #tpu.memory_space<hbm>>
      %dma_wait3A_17 = arith.constant 0 : i32
      %dma_wait3A_18 = tpu.memref_slice %arg12[%mul3A_2, %dma_wait3A_17] : memref<10112x128xf32, #tpu.memory_space<vmem_shared>> -> memref<632x128xf32, #tpu.memory_space<vmem_shared>>
      tpu.wait_dma2 semaphore(%run_scoped3A : memref<!tpu.dma_semaphore, #tpu.memory_space<semaphore_mem>>) src(%dma_wait3A_18 : memref<632x128xf32, #tpu.memory_space<vmem_shared>>) dst(%dma_wait3A_16 : memref<632x128xf32, #tpu.memory_space<hbm>>)
      tpu.yield
    }) : () -> ()
    return
  }
}

#map = affine_map<(d0, d1) -> (0, 0)>
#map1 = affine_map<(d0, d1) -> (0)>
#map2 = affine_map<(d0, d1) -> (0, 0, 0)>
module attributes {stable_mosaic.version = 14 : i64} {
  func.func @_edge_body(%arg0: i32, %arg1: i32, %arg2: memref<10000x128xf32, #tpu.memory_space<hbm>>, %arg3: memref<323584x128xf32, #tpu.memory_space<hbm>>, %arg4: memref<323584xi32, #tpu.memory_space<hbm>>, %arg5: memref<2528x128xi32, #tpu.memory_space<hbm>>, %arg6: memref<10112x128xf32, #tpu.memory_space<hbm>>, %arg7: memref<2x10112x128xf32, #tpu.memory_space<hbm>>, %arg8: memref<128xi32, #tpu.memory_space<vmem>>, %arg9: memref<1x128xi32, #tpu.memory_space<vmem>>, %arg10: memref<128x128xf32, #tpu.memory_space<vmem>>, %arg11: memref<128x128xf32, #tpu.memory_space<vmem>>, %arg12: memref<10112x128xf32, #tpu.memory_space<vmem_shared>>, %arg13: memref<!tpu.dma_semaphore, #tpu.memory_space<semaphore_mem>>) attributes {dimension_semantics = [#tpu.dimension_semantics<core_parallel>, #tpu.dimension_semantics<subcore_parallel>], iteration_bounds = array<i64: 2, 16>, scalar_prefetch = 0 : i64, scratch_operands = 6 : i64, tpu.core_type = #tpu.core_type<sc_vector_subcore>, window_params = [{transform_indices = #map}, {transform_indices = #map}, {transform_indices = #map1}, {transform_indices = #map}, {transform_indices = #map}, {transform_indices = #map2}]} {
    %mul3A = arith.constant 16 : i32
    %mul3A_0 = arith.muli %arg0, %mul3A : i32
    %add3A = arith.addi %mul3A_0, %arg1 : i32
    %mul3A_1 = arith.constant 632 : i32
    %mul3A_2 = arith.muli %arg1, %mul3A_1 : i32
    "tpu.region"() ({
      %run_scoped3A = tpu.sem_alloc : memref<!tpu.dma_semaphore, #tpu.memory_space<semaphore_mem>>
      %dma_start3A = arith.constant 0 : i32
      %dma_start3A_11 = tpu.memref_slice %arg12[%mul3A_2, %dma_start3A] : memref<10112x128xf32, #tpu.memory_space<vmem_shared>> -> memref<632x128xf32, #tpu.memory_space<vmem_shared>>
      %dma_start3A_12 = arith.constant 0 : i32
      %dma_start3A_13 = tpu.memref_slice %arg6[%mul3A_2, %dma_start3A_12] : memref<10112x128xf32, #tpu.memory_space<hbm>> -> memref<632x128xf32, #tpu.memory_space<hbm>>
      tpu.enqueue_dma source(%dma_start3A_13 : memref<632x128xf32, #tpu.memory_space<hbm>>) target(%dma_start3A_11 : memref<632x128xf32, #tpu.memory_space<vmem_shared>>) target_semaphore(%run_scoped3A : memref<!tpu.dma_semaphore, #tpu.memory_space<semaphore_mem>>)
      %dma_wait3A = arith.constant 0 : i32
      %dma_wait3A_14 = tpu.memref_slice %arg12[%mul3A_2, %dma_wait3A] : memref<10112x128xf32, #tpu.memory_space<vmem_shared>> -> memref<632x128xf32, #tpu.memory_space<vmem_shared>>
      %dma_wait3A_15 = arith.constant 0 : i32
      %dma_wait3A_16 = tpu.memref_slice %arg6[%mul3A_2, %dma_wait3A_15] : memref<10112x128xf32, #tpu.memory_space<hbm>> -> memref<632x128xf32, #tpu.memory_space<hbm>>
      tpu.wait_dma2 semaphore(%run_scoped3A : memref<!tpu.dma_semaphore, #tpu.memory_space<semaphore_mem>>) src(%dma_wait3A_16 : memref<632x128xf32, #tpu.memory_space<hbm>>) dst(%dma_wait3A_14 : memref<632x128xf32, #tpu.memory_space<vmem_shared>>)
      tpu.yield
    }) : () -> ()
    %barrier3A = arith.constant 0 : index
    tpu.barrier barrier_id(%barrier3A)
    %mul3A_3 = arith.constant 79 : i32
    %mul3A_4 = arith.muli %add3A, %mul3A_3 : i32
    %scan3A = arith.constant 0 : i32
    %scan3A_5 = arith.constant 0 : i32
    %scan3A_6 = arith.constant 79 : i32
    %scan3A_7 = arith.addi %scan3A_5, %scan3A_6 : i32
    %scan3A_8 = arith.constant 1 : i32
    scf.for %scan3A_11 = %scan3A_5 to %scan3A_7 step %scan3A_8  : i32 {
      %add3A_12 = arith.addi %mul3A_4, %scan3A_11 : i32
      %mul3A_13 = arith.constant 128 : i32
      %mul3A_14 = arith.muli %add3A_12, %mul3A_13 : i32
      "tpu.region"() ({
        %run_scoped3A_27 = tpu.sem_alloc : memref<!tpu.dma_semaphore, #tpu.memory_space<semaphore_mem>>
        %dma_start3A_28 = tpu.memref_slice %arg4[%mul3A_14] : memref<323584xi32, #tpu.memory_space<hbm>> -> memref<128xi32, #tpu.memory_space<hbm>>
        %dma_start3A_29 = tpu.memref_slice %arg4[%mul3A_14] : memref<323584xi32, #tpu.memory_space<hbm>> -> memref<128xi32, #tpu.memory_space<hbm>>
        tpu.enqueue_dma source(%dma_start3A_29 : memref<128xi32, #tpu.memory_space<hbm>>) target(%arg8 : memref<128xi32, #tpu.memory_space<vmem>>) target_semaphore(%run_scoped3A_27 : memref<!tpu.dma_semaphore, #tpu.memory_space<semaphore_mem>>)
        %dma_wait3A_30 = tpu.memref_slice %arg4[%mul3A_14] : memref<323584xi32, #tpu.memory_space<hbm>> -> memref<128xi32, #tpu.memory_space<hbm>>
        %dma_wait3A_31 = tpu.memref_slice %arg4[%mul3A_14] : memref<323584xi32, #tpu.memory_space<hbm>> -> memref<128xi32, #tpu.memory_space<hbm>>
        tpu.wait_dma2 semaphore(%run_scoped3A_27 : memref<!tpu.dma_semaphore, #tpu.memory_space<semaphore_mem>>) src(%dma_wait3A_31 : memref<128xi32, #tpu.memory_space<hbm>>) dst(%arg8 : memref<128xi32, #tpu.memory_space<vmem>>)
        tpu.yield
      }) : () -> ()
      "tpu.region"() ({
        %run_scoped3A_27 = tpu.sem_alloc : memref<!tpu.dma_semaphore, #tpu.memory_space<semaphore_mem>>
        %dma_start3A_28 = arith.constant 0 : i32
        %dma_start3A_29 = tpu.memref_slice %arg5[%add3A_12, %dma_start3A_28] : memref<2528x128xi32, #tpu.memory_space<hbm>> -> memref<1x128xi32, #tpu.memory_space<hbm>>
        %dma_start3A_30 = arith.constant 0 : i32
        %dma_start3A_31 = tpu.memref_slice %arg5[%add3A_12, %dma_start3A_30] : memref<2528x128xi32, #tpu.memory_space<hbm>> -> memref<1x128xi32, #tpu.memory_space<hbm>>
        tpu.enqueue_dma source(%dma_start3A_31 : memref<1x128xi32, #tpu.memory_space<hbm>>) target(%arg9 : memref<1x128xi32, #tpu.memory_space<vmem>>) target_semaphore(%run_scoped3A_27 : memref<!tpu.dma_semaphore, #tpu.memory_space<semaphore_mem>>)
        %dma_wait3A_32 = arith.constant 0 : i32
        %dma_wait3A_33 = tpu.memref_slice %arg5[%add3A_12, %dma_wait3A_32] : memref<2528x128xi32, #tpu.memory_space<hbm>> -> memref<1x128xi32, #tpu.memory_space<hbm>>
        %dma_wait3A_34 = arith.constant 0 : i32
        %dma_wait3A_35 = tpu.memref_slice %arg5[%add3A_12, %dma_wait3A_34] : memref<2528x128xi32, #tpu.memory_space<hbm>> -> memref<1x128xi32, #tpu.memory_space<hbm>>
        tpu.wait_dma2 semaphore(%run_scoped3A_27 : memref<!tpu.dma_semaphore, #tpu.memory_space<semaphore_mem>>) src(%dma_wait3A_35 : memref<1x128xi32, #tpu.memory_space<hbm>>) dst(%arg9 : memref<1x128xi32, #tpu.memory_space<vmem>>)
        tpu.yield
      }) : () -> ()
      %dma_start3A = arith.constant 0 : i32
      %dma_start3A_15 = arith.constant 0 : i32
      %dma_start3A_16 = tpu.memref_slice %arg2[%dma_start3A, %dma_start3A_15] : memref<10000x128xf32, #tpu.memory_space<hbm>> -> memref<10000x128xf32, #tpu.memory_space<hbm>>
      tpu.enqueue_indirect_dma source(%dma_start3A_16 : memref<10000x128xf32, #tpu.memory_space<hbm>>) target(%arg10 : memref<128x128xf32, #tpu.memory_space<vmem>>) offsets(%arg8 : memref<128xi32, #tpu.memory_space<vmem>>) semaphore(%arg13 : memref<!tpu.dma_semaphore, #tpu.memory_space<semaphore_mem>>)
      %dma_wait3A = arith.constant 0 : i32
      %dma_wait3A_17 = arith.constant 0 : i32
      %dma_wait3A_18 = tpu.memref_slice %arg2[%dma_wait3A, %dma_wait3A_17] : memref<10000x128xf32, #tpu.memory_space<hbm>> -> memref<10000x128xf32, #tpu.memory_space<hbm>>
      tpu.wait_indirect_dma semaphore(%arg13 : memref<!tpu.dma_semaphore, #tpu.memory_space<semaphore_mem>>) src(%dma_wait3A_18 : memref<10000x128xf32, #tpu.memory_space<hbm>>) dst(%arg10 : memref<128x128xf32, #tpu.memory_space<vmem>>)
      %mul3A_19 = arith.constant 128 : i32
      %mul3A_20 = arith.muli %add3A_12, %mul3A_19 : i32
      "tpu.region"() ({
        %run_scoped3A_27 = tpu.sem_alloc : memref<!tpu.dma_semaphore, #tpu.memory_space<semaphore_mem>>
        %dma_start3A_28 = arith.constant 0 : i32
        %dma_start3A_29 = tpu.memref_slice %arg3[%mul3A_20, %dma_start3A_28] : memref<323584x128xf32, #tpu.memory_space<hbm>> -> memref<128x128xf32, #tpu.memory_space<hbm>>
        %dma_start3A_30 = arith.constant 0 : i32
        %dma_start3A_31 = tpu.memref_slice %arg3[%mul3A_20, %dma_start3A_30] : memref<323584x128xf32, #tpu.memory_space<hbm>> -> memref<128x128xf32, #tpu.memory_space<hbm>>
        tpu.enqueue_dma source(%dma_start3A_31 : memref<128x128xf32, #tpu.memory_space<hbm>>) target(%arg11 : memref<128x128xf32, #tpu.memory_space<vmem>>) target_semaphore(%run_scoped3A_27 : memref<!tpu.dma_semaphore, #tpu.memory_space<semaphore_mem>>)
        %dma_wait3A_32 = arith.constant 0 : i32
        %dma_wait3A_33 = tpu.memref_slice %arg3[%mul3A_20, %dma_wait3A_32] : memref<323584x128xf32, #tpu.memory_space<hbm>> -> memref<128x128xf32, #tpu.memory_space<hbm>>
        %dma_wait3A_34 = arith.constant 0 : i32
        %dma_wait3A_35 = tpu.memref_slice %arg3[%mul3A_20, %dma_wait3A_34] : memref<323584x128xf32, #tpu.memory_space<hbm>> -> memref<128x128xf32, #tpu.memory_space<hbm>>
        tpu.wait_dma2 semaphore(%run_scoped3A_27 : memref<!tpu.dma_semaphore, #tpu.memory_space<semaphore_mem>>) src(%dma_wait3A_35 : memref<128x128xf32, #tpu.memory_space<hbm>>) dst(%arg11 : memref<128x128xf32, #tpu.memory_space<vmem>>)
        tpu.yield
      }) : () -> ()
      %scan3A_21 = arith.constant 0 : i32
      %scan3A_22 = arith.constant 0 : i32
      %scan3A_23 = arith.constant 128 : i32
      %scan3A_24 = arith.addi %scan3A_22, %scan3A_23 : i32
      %scan3A_25 = arith.constant 1 : i32
      scf.for %scan3A_27 = %scan3A_22 to %scan3A_24 step %scan3A_25  : i32 {
        %get3A = arith.index_cast %scan3A_27 : i32 to index
        %get3A_28 = arith.constant 0 : index
        %get3A_29 = tpu.vector_load %arg10[%get3A, %get3A_28] {strides = array<i32>} : memref<128x128xf32, #tpu.memory_space<vmem>>, vector<1x16xf32>,
        %get3A_30 = vector.shape_cast %get3A_29 : vector<1x16xf32> to vector<16xf32>
        %get3A_31 = arith.index_cast %scan3A_27 : i32 to index
        %get3A_32 = arith.constant 0 : index
        %get3A_33 = tpu.vector_load %arg11[%get3A_31, %get3A_32] {strides = array<i32>} : memref<128x128xf32, #tpu.memory_space<vmem>>, vector<1x16xf32>,
        %get3A_34 = vector.shape_cast %get3A_33 : vector<1x16xf32> to vector<16xf32>
        %add3A_35 = arith.addf %get3A_30, %get3A_34 : vector<16xf32>
        %max3A = arith.constant 0.000000e+00 : f32
        %max3A_36 = vector.broadcast %max3A : f32 to vector<16xf32>
        %max3A_37 = arith.maximumf %add3A_35, %max3A_36 : vector<16xf32>
        %swap3A = arith.index_cast %scan3A_27 : i32 to index
        %swap3A_38 = arith.constant 0 : index
        %swap3A_39 = tpu.vector_load %arg10[%swap3A, %swap3A_38] {strides = array<i32>} : memref<128x128xf32, #tpu.memory_space<vmem>>, vector<1x16xf32>,
        %swap3A_40 = vector.shape_cast %swap3A_39 : vector<1x16xf32> to vector<16xf32>
        %swap3A_41 = vector.shape_cast %max3A_37 : vector<16xf32> to vector<1x16xf32>
        tpu.vector_store %arg10[%swap3A, %swap3A_38], %swap3A_41 {strides = array<i32>} : memref<128x128xf32, #tpu.memory_space<vmem>>, vector<1x16xf32>,
        %get3A_42 = arith.index_cast %scan3A_27 : i32 to index
        %get3A_43 = arith.constant 16 : index
        %get3A_44 = tpu.vector_load %arg10[%get3A_42, %get3A_43] {strides = array<i32>} : memref<128x128xf32, #tpu.memory_space<vmem>>, vector<1x16xf32>,
        %get3A_45 = vector.shape_cast %get3A_44 : vector<1x16xf32> to vector<16xf32>
        %get3A_46 = arith.index_cast %scan3A_27 : i32 to index
        %get3A_47 = arith.constant 16 : index
        %get3A_48 = tpu.vector_load %arg11[%get3A_46, %get3A_47] {strides = array<i32>} : memref<128x128xf32, #tpu.memory_space<vmem>>, vector<1x16xf32>,
        %get3A_49 = vector.shape_cast %get3A_48 : vector<1x16xf32> to vector<16xf32>
        %add3A_50 = arith.addf %get3A_45, %get3A_49 : vector<16xf32>
        %max3A_51 = arith.constant 0.000000e+00 : f32
        %max3A_52 = vector.broadcast %max3A_51 : f32 to vector<16xf32>
        %max3A_53 = arith.maximumf %add3A_50, %max3A_52 : vector<16xf32>
        %swap3A_54 = arith.index_cast %scan3A_27 : i32 to index
        %swap3A_55 = arith.constant 16 : index
        %swap3A_56 = tpu.vector_load %arg10[%swap3A_54, %swap3A_55] {strides = array<i32>} : memref<128x128xf32, #tpu.memory_space<vmem>>, vector<1x16xf32>,
        %swap3A_57 = vector.shape_cast %swap3A_56 : vector<1x16xf32> to vector<16xf32>
        %swap3A_58 = vector.shape_cast %max3A_53 : vector<16xf32> to vector<1x16xf32>
        tpu.vector_store %arg10[%swap3A_54, %swap3A_55], %swap3A_58 {strides = array<i32>} : memref<128x128xf32, #tpu.memory_space<vmem>>, vector<1x16xf32>,
        %get3A_59 = arith.index_cast %scan3A_27 : i32 to index
        %get3A_60 = arith.constant 32 : index
        %get3A_61 = tpu.vector_load %arg10[%get3A_59, %get3A_60] {strides = array<i32>} : memref<128x128xf32, #tpu.memory_space<vmem>>, vector<1x16xf32>,
        %get3A_62 = vector.shape_cast %get3A_61 : vector<1x16xf32> to vector<16xf32>
        %get3A_63 = arith.index_cast %scan3A_27 : i32 to index
        %get3A_64 = arith.constant 32 : index
        %get3A_65 = tpu.vector_load %arg11[%get3A_63, %get3A_64] {strides = array<i32>} : memref<128x128xf32, #tpu.memory_space<vmem>>, vector<1x16xf32>,
        %get3A_66 = vector.shape_cast %get3A_65 : vector<1x16xf32> to vector<16xf32>
        %add3A_67 = arith.addf %get3A_62, %get3A_66 : vector<16xf32>
        %max3A_68 = arith.constant 0.000000e+00 : f32
        %max3A_69 = vector.broadcast %max3A_68 : f32 to vector<16xf32>
        %max3A_70 = arith.maximumf %add3A_67, %max3A_69 : vector<16xf32>
        %swap3A_71 = arith.index_cast %scan3A_27 : i32 to index
        %swap3A_72 = arith.constant 32 : index
        %swap3A_73 = tpu.vector_load %arg10[%swap3A_71, %swap3A_72] {strides = array<i32>} : memref<128x128xf32, #tpu.memory_space<vmem>>, vector<1x16xf32>,
        %swap3A_74 = vector.shape_cast %swap3A_73 : vector<1x16xf32> to vector<16xf32>
        %swap3A_75 = vector.shape_cast %max3A_70 : vector<16xf32> to vector<1x16xf32>
        tpu.vector_store %arg10[%swap3A_71, %swap3A_72], %swap3A_75 {strides = array<i32>} : memref<128x128xf32, #tpu.memory_space<vmem>>, vector<1x16xf32>,
        %get3A_76 = arith.index_cast %scan3A_27 : i32 to index
        %get3A_77 = arith.constant 48 : index
        %get3A_78 = tpu.vector_load %arg10[%get3A_76, %get3A_77] {strides = array<i32>} : memref<128x128xf32, #tpu.memory_space<vmem>>, vector<1x16xf32>,
        %get3A_79 = vector.shape_cast %get3A_78 : vector<1x16xf32> to vector<16xf32>
        %get3A_80 = arith.index_cast %scan3A_27 : i32 to index
        %get3A_81 = arith.constant 48 : index
        %get3A_82 = tpu.vector_load %arg11[%get3A_80, %get3A_81] {strides = array<i32>} : memref<128x128xf32, #tpu.memory_space<vmem>>, vector<1x16xf32>,
        %get3A_83 = vector.shape_cast %get3A_82 : vector<1x16xf32> to vector<16xf32>
        %add3A_84 = arith.addf %get3A_79, %get3A_83 : vector<16xf32>
        %max3A_85 = arith.constant 0.000000e+00 : f32
        %max3A_86 = vector.broadcast %max3A_85 : f32 to vector<16xf32>
        %max3A_87 = arith.maximumf %add3A_84, %max3A_86 : vector<16xf32>
        %swap3A_88 = arith.index_cast %scan3A_27 : i32 to index
        %swap3A_89 = arith.constant 48 : index
        %swap3A_90 = tpu.vector_load %arg10[%swap3A_88, %swap3A_89] {strides = array<i32>} : memref<128x128xf32, #tpu.memory_space<vmem>>, vector<1x16xf32>,
        %swap3A_91 = vector.shape_cast %swap3A_90 : vector<1x16xf32> to vector<16xf32>
        %swap3A_92 = vector.shape_cast %max3A_87 : vector<16xf32> to vector<1x16xf32>
        tpu.vector_store %arg10[%swap3A_88, %swap3A_89], %swap3A_92 {strides = array<i32>} : memref<128x128xf32, #tpu.memory_space<vmem>>, vector<1x16xf32>,
        %get3A_93 = arith.index_cast %scan3A_27 : i32 to index
        %get3A_94 = arith.constant 64 : index
        %get3A_95 = tpu.vector_load %arg10[%get3A_93, %get3A_94] {strides = array<i32>} : memref<128x128xf32, #tpu.memory_space<vmem>>, vector<1x16xf32>,
        %get3A_96 = vector.shape_cast %get3A_95 : vector<1x16xf32> to vector<16xf32>
        %get3A_97 = arith.index_cast %scan3A_27 : i32 to index
        %get3A_98 = arith.constant 64 : index
        %get3A_99 = tpu.vector_load %arg11[%get3A_97, %get3A_98] {strides = array<i32>} : memref<128x128xf32, #tpu.memory_space<vmem>>, vector<1x16xf32>,
        %get3A_100 = vector.shape_cast %get3A_99 : vector<1x16xf32> to vector<16xf32>
        %add3A_101 = arith.addf %get3A_96, %get3A_100 : vector<16xf32>
        %max3A_102 = arith.constant 0.000000e+00 : f32
        %max3A_103 = vector.broadcast %max3A_102 : f32 to vector<16xf32>
        %max3A_104 = arith.maximumf %add3A_101, %max3A_103 : vector<16xf32>
        %swap3A_105 = arith.index_cast %scan3A_27 : i32 to index
        %swap3A_106 = arith.constant 64 : index
        %swap3A_107 = tpu.vector_load %arg10[%swap3A_105, %swap3A_106] {strides = array<i32>} : memref<128x128xf32, #tpu.memory_space<vmem>>, vector<1x16xf32>,
        %swap3A_108 = vector.shape_cast %swap3A_107 : vector<1x16xf32> to vector<16xf32>
        %swap3A_109 = vector.shape_cast %max3A_104 : vector<16xf32> to vector<1x16xf32>
        tpu.vector_store %arg10[%swap3A_105, %swap3A_106], %swap3A_109 {strides = array<i32>} : memref<128x128xf32, #tpu.memory_space<vmem>>, vector<1x16xf32>,
        %get3A_110 = arith.index_cast %scan3A_27 : i32 to index
        %get3A_111 = arith.constant 80 : index
        %get3A_112 = tpu.vector_load %arg10[%get3A_110, %get3A_111] {strides = array<i32>} : memref<128x128xf32, #tpu.memory_space<vmem>>, vector<1x16xf32>,
        %get3A_113 = vector.shape_cast %get3A_112 : vector<1x16xf32> to vector<16xf32>
        %get3A_114 = arith.index_cast %scan3A_27 : i32 to index
        %get3A_115 = arith.constant 80 : index
        %get3A_116 = tpu.vector_load %arg11[%get3A_114, %get3A_115] {strides = array<i32>} : memref<128x128xf32, #tpu.memory_space<vmem>>, vector<1x16xf32>,
        %get3A_117 = vector.shape_cast %get3A_116 : vector<1x16xf32> to vector<16xf32>
        %add3A_118 = arith.addf %get3A_113, %get3A_117 : vector<16xf32>
        %max3A_119 = arith.constant 0.000000e+00 : f32
        %max3A_120 = vector.broadcast %max3A_119 : f32 to vector<16xf32>
        %max3A_121 = arith.maximumf %add3A_118, %max3A_120 : vector<16xf32>
        %swap3A_122 = arith.index_cast %scan3A_27 : i32 to index
        %swap3A_123 = arith.constant 80 : index
        %swap3A_124 = tpu.vector_load %arg10[%swap3A_122, %swap3A_123] {strides = array<i32>} : memref<128x128xf32, #tpu.memory_space<vmem>>, vector<1x16xf32>,
        %swap3A_125 = vector.shape_cast %swap3A_124 : vector<1x16xf32> to vector<16xf32>
        %swap3A_126 = vector.shape_cast %max3A_121 : vector<16xf32> to vector<1x16xf32>
        tpu.vector_store %arg10[%swap3A_122, %swap3A_123], %swap3A_126 {strides = array<i32>} : memref<128x128xf32, #tpu.memory_space<vmem>>, vector<1x16xf32>,
        %get3A_127 = arith.index_cast %scan3A_27 : i32 to index
        %get3A_128 = arith.constant 96 : index
        %get3A_129 = tpu.vector_load %arg10[%get3A_127, %get3A_128] {strides = array<i32>} : memref<128x128xf32, #tpu.memory_space<vmem>>, vector<1x16xf32>,
        %get3A_130 = vector.shape_cast %get3A_129 : vector<1x16xf32> to vector<16xf32>
        %get3A_131 = arith.index_cast %scan3A_27 : i32 to index
        %get3A_132 = arith.constant 96 : index
        %get3A_133 = tpu.vector_load %arg11[%get3A_131, %get3A_132] {strides = array<i32>} : memref<128x128xf32, #tpu.memory_space<vmem>>, vector<1x16xf32>,
        %get3A_134 = vector.shape_cast %get3A_133 : vector<1x16xf32> to vector<16xf32>
        %add3A_135 = arith.addf %get3A_130, %get3A_134 : vector<16xf32>
        %max3A_136 = arith.constant 0.000000e+00 : f32
        %max3A_137 = vector.broadcast %max3A_136 : f32 to vector<16xf32>
        %max3A_138 = arith.maximumf %add3A_135, %max3A_137 : vector<16xf32>
        %swap3A_139 = arith.index_cast %scan3A_27 : i32 to index
        %swap3A_140 = arith.constant 96 : index
        %swap3A_141 = tpu.vector_load %arg10[%swap3A_139, %swap3A_140] {strides = array<i32>} : memref<128x128xf32, #tpu.memory_space<vmem>>, vector<1x16xf32>,
        %swap3A_142 = vector.shape_cast %swap3A_141 : vector<1x16xf32> to vector<16xf32>
        %swap3A_143 = vector.shape_cast %max3A_138 : vector<16xf32> to vector<1x16xf32>
        tpu.vector_store %arg10[%swap3A_139, %swap3A_140], %swap3A_143 {strides = array<i32>} : memref<128x128xf32, #tpu.memory_space<vmem>>, vector<1x16xf32>,
        %get3A_144 = arith.index_cast %scan3A_27 : i32 to index
        %get3A_145 = arith.constant 112 : index
        %get3A_146 = tpu.vector_load %arg10[%get3A_144, %get3A_145] {strides = array<i32>} : memref<128x128xf32, #tpu.memory_space<vmem>>, vector<1x16xf32>,
        %get3A_147 = vector.shape_cast %get3A_146 : vector<1x16xf32> to vector<16xf32>
        %get3A_148 = arith.index_cast %scan3A_27 : i32 to index
        %get3A_149 = arith.constant 112 : index
        %get3A_150 = tpu.vector_load %arg11[%get3A_148, %get3A_149] {strides = array<i32>} : memref<128x128xf32, #tpu.memory_space<vmem>>, vector<1x16xf32>,
        %get3A_151 = vector.shape_cast %get3A_150 : vector<1x16xf32> to vector<16xf32>
        %add3A_152 = arith.addf %get3A_147, %get3A_151 : vector<16xf32>
        %max3A_153 = arith.constant 0.000000e+00 : f32
        %max3A_154 = vector.broadcast %max3A_153 : f32 to vector<16xf32>
        %max3A_155 = arith.maximumf %add3A_152, %max3A_154 : vector<16xf32>
        %swap3A_156 = arith.index_cast %scan3A_27 : i32 to index
        %swap3A_157 = arith.constant 112 : index
        %swap3A_158 = tpu.vector_load %arg10[%swap3A_156, %swap3A_157] {strides = array<i32>} : memref<128x128xf32, #tpu.memory_space<vmem>>, vector<1x16xf32>,
        %swap3A_159 = vector.shape_cast %swap3A_158 : vector<1x16xf32> to vector<16xf32>
        %swap3A_160 = vector.shape_cast %max3A_155 : vector<16xf32> to vector<1x16xf32>
        tpu.vector_store %arg10[%swap3A_156, %swap3A_157], %swap3A_160 {strides = array<i32>} : memref<128x128xf32, #tpu.memory_space<vmem>>, vector<1x16xf32>,
      }
      %scan3A_26 = arith.constant 128 : i32
      %run_scoped3A = arith.constant 0 : i32
      "tpu.region"() ({
        %run_scoped3A_27 = tpu.sem_alloc : memref<!tpu.dma_semaphore, #tpu.memory_space<semaphore_mem>>
        %dma_start3A_28 = arith.constant 0 : i32
        %dma_start3A_29 = tpu.memref_slice %arg9[%run_scoped3A, %dma_start3A_28] : memref<1x128xi32, #tpu.memory_space<vmem>> -> memref<1x128xi32, #tpu.memory_space<vmem>>
        %dma_start3A_30 = tpu.memref_squeeze %dma_start3A_29 : memref<1x128xi32, #tpu.memory_space<vmem>> -> memref<128xi32, #tpu.memory_space<vmem>>
        %dma_start3A_31 = arith.constant 0 : i32
        %dma_start3A_32 = arith.constant 0 : i32
        %dma_start3A_33 = tpu.memref_slice %arg12[%dma_start3A_31, %dma_start3A_32] : memref<10112x128xf32, #tpu.memory_space<vmem_shared>> -> memref<10112x128xf32, #tpu.memory_space<vmem_shared>>
        tpu.enqueue_indirect_dma source(%arg10 : memref<128x128xf32, #tpu.memory_space<vmem>>) target(%dma_start3A_33 : memref<10112x128xf32, #tpu.memory_space<vmem_shared>>) offsets(%dma_start3A_30 : memref<128xi32, #tpu.memory_space<vmem>>) semaphore(%run_scoped3A_27 : memref<!tpu.dma_semaphore, #tpu.memory_space<semaphore_mem>>) {add = true}
        %dma_wait3A_34 = arith.constant 0 : i32
        %dma_wait3A_35 = tpu.memref_slice %arg9[%run_scoped3A, %dma_wait3A_34] : memref<1x128xi32, #tpu.memory_space<vmem>> -> memref<1x128xi32, #tpu.memory_space<vmem>>
        %dma_wait3A_36 = tpu.memref_squeeze %dma_wait3A_35 : memref<1x128xi32, #tpu.memory_space<vmem>> -> memref<128xi32, #tpu.memory_space<vmem>>
        %dma_wait3A_37 = arith.constant 0 : i32
        %dma_wait3A_38 = arith.constant 0 : i32
        %dma_wait3A_39 = tpu.memref_slice %arg12[%dma_wait3A_37, %dma_wait3A_38] : memref<10112x128xf32, #tpu.memory_space<vmem_shared>> -> memref<10112x128xf32, #tpu.memory_space<vmem_shared>>
        tpu.wait_indirect_dma semaphore(%run_scoped3A_27 : memref<!tpu.dma_semaphore, #tpu.memory_space<semaphore_mem>>) src(%arg10 : memref<128x128xf32, #tpu.memory_space<vmem>>) dst(%dma_wait3A_39 : memref<10112x128xf32, #tpu.memory_space<vmem_shared>>)
        tpu.yield
      }) : () -> ()
    }
    %scan3A_9 = arith.constant 79 : i32
    %barrier3A_10 = arith.constant 0 : index
    tpu.barrier barrier_id(%barrier3A_10)
    "tpu.region"() ({
      %run_scoped3A = tpu.sem_alloc : memref<!tpu.dma_semaphore, #tpu.memory_space<semaphore_mem>>
      %dma_start3A = arith.constant 0 : i32
      %dma_start3A_11 = tpu.memref_slice %arg7[%arg0, %mul3A_2, %dma_start3A] : memref<2x10112x128xf32, #tpu.memory_space<hbm>> -> memref<1x632x128xf32, #tpu.memory_space<hbm>>
      %dma_start3A_12 = tpu.memref_squeeze %dma_start3A_11 : memref<1x632x128xf32, #tpu.memory_space<hbm>> -> memref<632x128xf32, #tpu.memory_space<hbm>>
      %dma_start3A_13 = arith.constant 0 : i32
      %dma_start3A_14 = tpu.memref_slice %arg12[%mul3A_2, %dma_start3A_13] : memref<10112x128xf32, #tpu.memory_space<vmem_shared>> -> memref<632x128xf32, #tpu.memory_space<vmem_shared>>
      tpu.enqueue_dma source(%dma_start3A_14 : memref<632x128xf32, #tpu.memory_space<vmem_shared>>) target(%dma_start3A_12 : memref<632x128xf32, #tpu.memory_space<hbm>>) target_semaphore(%run_scoped3A : memref<!tpu.dma_semaphore, #tpu.memory_space<semaphore_mem>>)
      %dma_wait3A = arith.constant 0 : i32
      %dma_wait3A_15 = tpu.memref_slice %arg7[%arg0, %mul3A_2, %dma_wait3A] : memref<2x10112x128xf32, #tpu.memory_space<hbm>> -> memref<1x632x128xf32, #tpu.memory_space<hbm>>
      %dma_wait3A_16 = tpu.memref_squeeze %dma_wait3A_15 : memref<1x632x128xf32, #tpu.memory_space<hbm>> -> memref<632x128xf32, #tpu.memory_space<hbm>>
      %dma_wait3A_17 = arith.constant 0 : i32
      %dma_wait3A_18 = tpu.memref_slice %arg12[%mul3A_2, %dma_wait3A_17] : memref<10112x128xf32, #tpu.memory_space<vmem_shared>> -> memref<632x128xf32, #tpu.memory_space<vmem_shared>>
      tpu.wait_dma2 semaphore(%run_scoped3A : memref<!tpu.dma_semaphore, #tpu.memory_space<semaphore_mem>>) src(%dma_wait3A_18 : memref<632x128xf32, #tpu.memory_space<vmem_shared>>) dst(%dma_wait3A_16 : memref<632x128xf32, #tpu.memory_space<hbm>>)
      tpu.yield
    }) : () -> ()
    return
  }
}

#map = affine_map<(d0, d1) -> (0, 0)>
#map1 = affine_map<(d0, d1) -> (0)>
#map2 = affine_map<(d0, d1) -> (0, 0, 0)>
module attributes {stable_mosaic.version = 14 : i64} {
  func.func @_edge_body(%arg0: i32, %arg1: i32, %arg2: memref<10000x128xf32, #tpu.memory_space<hbm>>, %arg3: memref<323584x128xf32, #tpu.memory_space<hbm>>, %arg4: memref<323584xi32, #tpu.memory_space<hbm>>, %arg5: memref<2528x128xi32, #tpu.memory_space<hbm>>, %arg6: memref<10112x128xf32, #tpu.memory_space<hbm>>, %arg7: memref<2x10112x128xf32, #tpu.memory_space<hbm>>, %arg8: memref<128xi32, #tpu.memory_space<vmem>>, %arg9: memref<1x128xi32, #tpu.memory_space<vmem>>, %arg10: memref<128x128xf32, #tpu.memory_space<vmem>>, %arg11: memref<128x128xf32, #tpu.memory_space<vmem>>, %arg12: memref<10112x128xf32, #tpu.memory_space<vmem_shared>>, %arg13: memref<!tpu.dma_semaphore, #tpu.memory_space<semaphore_mem>>) attributes {dimension_semantics = [#tpu.dimension_semantics<core_parallel>, #tpu.dimension_semantics<subcore_parallel>], iteration_bounds = array<i64: 2, 16>, scalar_prefetch = 0 : i64, scratch_operands = 6 : i64, tpu.core_type = #tpu.core_type<sc_vector_subcore>, window_params = [{transform_indices = #map}, {transform_indices = #map}, {transform_indices = #map1}, {transform_indices = #map}, {transform_indices = #map}, {transform_indices = #map2}]} {
    %mul3A = arith.constant 16 : i32
    %mul3A_0 = arith.muli %arg0, %mul3A : i32
    %add3A = arith.addi %mul3A_0, %arg1 : i32
    %mul3A_1 = arith.constant 632 : i32
    %mul3A_2 = arith.muli %arg1, %mul3A_1 : i32
    "tpu.region"() ({
      %run_scoped3A = tpu.sem_alloc : memref<!tpu.dma_semaphore, #tpu.memory_space<semaphore_mem>>
      %dma_start3A = arith.constant 0 : i32
      %dma_start3A_11 = tpu.memref_slice %arg12[%mul3A_2, %dma_start3A] : memref<10112x128xf32, #tpu.memory_space<vmem_shared>> -> memref<632x128xf32, #tpu.memory_space<vmem_shared>>
      %dma_start3A_12 = arith.constant 0 : i32
      %dma_start3A_13 = tpu.memref_slice %arg6[%mul3A_2, %dma_start3A_12] : memref<10112x128xf32, #tpu.memory_space<hbm>> -> memref<632x128xf32, #tpu.memory_space<hbm>>
      tpu.enqueue_dma source(%dma_start3A_13 : memref<632x128xf32, #tpu.memory_space<hbm>>) target(%dma_start3A_11 : memref<632x128xf32, #tpu.memory_space<vmem_shared>>) target_semaphore(%run_scoped3A : memref<!tpu.dma_semaphore, #tpu.memory_space<semaphore_mem>>)
      %dma_wait3A = arith.constant 0 : i32
      %dma_wait3A_14 = tpu.memref_slice %arg12[%mul3A_2, %dma_wait3A] : memref<10112x128xf32, #tpu.memory_space<vmem_shared>> -> memref<632x128xf32, #tpu.memory_space<vmem_shared>>
      %dma_wait3A_15 = arith.constant 0 : i32
      %dma_wait3A_16 = tpu.memref_slice %arg6[%mul3A_2, %dma_wait3A_15] : memref<10112x128xf32, #tpu.memory_space<hbm>> -> memref<632x128xf32, #tpu.memory_space<hbm>>
      tpu.wait_dma2 semaphore(%run_scoped3A : memref<!tpu.dma_semaphore, #tpu.memory_space<semaphore_mem>>) src(%dma_wait3A_16 : memref<632x128xf32, #tpu.memory_space<hbm>>) dst(%dma_wait3A_14 : memref<632x128xf32, #tpu.memory_space<vmem_shared>>)
      tpu.yield
    }) : () -> ()
    %barrier3A = arith.constant 0 : index
    tpu.barrier barrier_id(%barrier3A)
    %mul3A_3 = arith.constant 79 : i32
    %mul3A_4 = arith.muli %add3A, %mul3A_3 : i32
    %scan3A = arith.constant 0 : i32
    %scan3A_5 = arith.constant 0 : i32
    %scan3A_6 = arith.constant 79 : i32
    %scan3A_7 = arith.addi %scan3A_5, %scan3A_6 : i32
    %scan3A_8 = arith.constant 1 : i32
    scf.for %scan3A_11 = %scan3A_5 to %scan3A_7 step %scan3A_8  : i32 {
      %add3A_12 = arith.addi %mul3A_4, %scan3A_11 : i32
      %mul3A_13 = arith.constant 128 : i32
      %mul3A_14 = arith.muli %add3A_12, %mul3A_13 : i32
      "tpu.region"() ({
        %run_scoped3A_27 = tpu.sem_alloc : memref<!tpu.dma_semaphore, #tpu.memory_space<semaphore_mem>>
        %dma_start3A_28 = tpu.memref_slice %arg4[%mul3A_14] : memref<323584xi32, #tpu.memory_space<hbm>> -> memref<128xi32, #tpu.memory_space<hbm>>
        %dma_start3A_29 = tpu.memref_slice %arg4[%mul3A_14] : memref<323584xi32, #tpu.memory_space<hbm>> -> memref<128xi32, #tpu.memory_space<hbm>>
        tpu.enqueue_dma source(%dma_start3A_29 : memref<128xi32, #tpu.memory_space<hbm>>) target(%arg8 : memref<128xi32, #tpu.memory_space<vmem>>) target_semaphore(%run_scoped3A_27 : memref<!tpu.dma_semaphore, #tpu.memory_space<semaphore_mem>>)
        %dma_wait3A_30 = tpu.memref_slice %arg4[%mul3A_14] : memref<323584xi32, #tpu.memory_space<hbm>> -> memref<128xi32, #tpu.memory_space<hbm>>
        %dma_wait3A_31 = tpu.memref_slice %arg4[%mul3A_14] : memref<323584xi32, #tpu.memory_space<hbm>> -> memref<128xi32, #tpu.memory_space<hbm>>
        tpu.wait_dma2 semaphore(%run_scoped3A_27 : memref<!tpu.dma_semaphore, #tpu.memory_space<semaphore_mem>>) src(%dma_wait3A_31 : memref<128xi32, #tpu.memory_space<hbm>>) dst(%arg8 : memref<128xi32, #tpu.memory_space<vmem>>)
        tpu.yield
      }) : () -> ()
      "tpu.region"() ({
        %run_scoped3A_27 = tpu.sem_alloc : memref<!tpu.dma_semaphore, #tpu.memory_space<semaphore_mem>>
        %dma_start3A_28 = arith.constant 0 : i32
        %dma_start3A_29 = tpu.memref_slice %arg5[%add3A_12, %dma_start3A_28] : memref<2528x128xi32, #tpu.memory_space<hbm>> -> memref<1x128xi32, #tpu.memory_space<hbm>>
        %dma_start3A_30 = arith.constant 0 : i32
        %dma_start3A_31 = tpu.memref_slice %arg5[%add3A_12, %dma_start3A_30] : memref<2528x128xi32, #tpu.memory_space<hbm>> -> memref<1x128xi32, #tpu.memory_space<hbm>>
        tpu.enqueue_dma source(%dma_start3A_31 : memref<1x128xi32, #tpu.memory_space<hbm>>) target(%arg9 : memref<1x128xi32, #tpu.memory_space<vmem>>) target_semaphore(%run_scoped3A_27 : memref<!tpu.dma_semaphore, #tpu.memory_space<semaphore_mem>>)
        %dma_wait3A_32 = arith.constant 0 : i32
        %dma_wait3A_33 = tpu.memref_slice %arg5[%add3A_12, %dma_wait3A_32] : memref<2528x128xi32, #tpu.memory_space<hbm>> -> memref<1x128xi32, #tpu.memory_space<hbm>>
        %dma_wait3A_34 = arith.constant 0 : i32
        %dma_wait3A_35 = tpu.memref_slice %arg5[%add3A_12, %dma_wait3A_34] : memref<2528x128xi32, #tpu.memory_space<hbm>> -> memref<1x128xi32, #tpu.memory_space<hbm>>
        tpu.wait_dma2 semaphore(%run_scoped3A_27 : memref<!tpu.dma_semaphore, #tpu.memory_space<semaphore_mem>>) src(%dma_wait3A_35 : memref<1x128xi32, #tpu.memory_space<hbm>>) dst(%arg9 : memref<1x128xi32, #tpu.memory_space<vmem>>)
        tpu.yield
      }) : () -> ()
      %dma_start3A = arith.constant 0 : i32
      %dma_start3A_15 = arith.constant 0 : i32
      %dma_start3A_16 = tpu.memref_slice %arg2[%dma_start3A, %dma_start3A_15] : memref<10000x128xf32, #tpu.memory_space<hbm>> -> memref<10000x128xf32, #tpu.memory_space<hbm>>
      tpu.enqueue_indirect_dma source(%dma_start3A_16 : memref<10000x128xf32, #tpu.memory_space<hbm>>) target(%arg10 : memref<128x128xf32, #tpu.memory_space<vmem>>) offsets(%arg8 : memref<128xi32, #tpu.memory_space<vmem>>) semaphore(%arg13 : memref<!tpu.dma_semaphore, #tpu.memory_space<semaphore_mem>>)
      %dma_wait3A = arith.constant 0 : i32
      %dma_wait3A_17 = arith.constant 0 : i32
      %dma_wait3A_18 = tpu.memref_slice %arg2[%dma_wait3A, %dma_wait3A_17] : memref<10000x128xf32, #tpu.memory_space<hbm>> -> memref<10000x128xf32, #tpu.memory_space<hbm>>
      tpu.wait_indirect_dma semaphore(%arg13 : memref<!tpu.dma_semaphore, #tpu.memory_space<semaphore_mem>>) src(%dma_wait3A_18 : memref<10000x128xf32, #tpu.memory_space<hbm>>) dst(%arg10 : memref<128x128xf32, #tpu.memory_space<vmem>>)
      %mul3A_19 = arith.constant 128 : i32
      %mul3A_20 = arith.muli %add3A_12, %mul3A_19 : i32
      "tpu.region"() ({
        %run_scoped3A_27 = tpu.sem_alloc : memref<!tpu.dma_semaphore, #tpu.memory_space<semaphore_mem>>
        %dma_start3A_28 = arith.constant 0 : i32
        %dma_start3A_29 = tpu.memref_slice %arg3[%mul3A_20, %dma_start3A_28] : memref<323584x128xf32, #tpu.memory_space<hbm>> -> memref<128x128xf32, #tpu.memory_space<hbm>>
        %dma_start3A_30 = arith.constant 0 : i32
        %dma_start3A_31 = tpu.memref_slice %arg3[%mul3A_20, %dma_start3A_30] : memref<323584x128xf32, #tpu.memory_space<hbm>> -> memref<128x128xf32, #tpu.memory_space<hbm>>
        tpu.enqueue_dma source(%dma_start3A_31 : memref<128x128xf32, #tpu.memory_space<hbm>>) target(%arg11 : memref<128x128xf32, #tpu.memory_space<vmem>>) target_semaphore(%run_scoped3A_27 : memref<!tpu.dma_semaphore, #tpu.memory_space<semaphore_mem>>)
        %dma_wait3A_32 = arith.constant 0 : i32
        %dma_wait3A_33 = tpu.memref_slice %arg3[%mul3A_20, %dma_wait3A_32] : memref<323584x128xf32, #tpu.memory_space<hbm>> -> memref<128x128xf32, #tpu.memory_space<hbm>>
        %dma_wait3A_34 = arith.constant 0 : i32
        %dma_wait3A_35 = tpu.memref_slice %arg3[%mul3A_20, %dma_wait3A_34] : memref<323584x128xf32, #tpu.memory_space<hbm>> -> memref<128x128xf32, #tpu.memory_space<hbm>>
        tpu.wait_dma2 semaphore(%run_scoped3A_27 : memref<!tpu.dma_semaphore, #tpu.memory_space<semaphore_mem>>) src(%dma_wait3A_35 : memref<128x128xf32, #tpu.memory_space<hbm>>) dst(%arg11 : memref<128x128xf32, #tpu.memory_space<vmem>>)
        tpu.yield
      }) : () -> ()
      %scan3A_21 = arith.constant 0 : i32
      %scan3A_22 = arith.constant 0 : i32
      %scan3A_23 = arith.constant 128 : i32
      %scan3A_24 = arith.addi %scan3A_22, %scan3A_23 : i32
      %scan3A_25 = arith.constant 1 : i32
      scf.for %scan3A_27 = %scan3A_22 to %scan3A_24 step %scan3A_25  : i32 {
        %get3A = arith.index_cast %scan3A_27 : i32 to index
        %get3A_28 = arith.constant 0 : index
        %get3A_29 = tpu.vector_load %arg10[%get3A, %get3A_28] {strides = array<i32>} : memref<128x128xf32, #tpu.memory_space<vmem>>, vector<1x16xf32>,
        %get3A_30 = vector.shape_cast %get3A_29 : vector<1x16xf32> to vector<16xf32>
        %get3A_31 = arith.index_cast %scan3A_27 : i32 to index
        %get3A_32 = arith.constant 0 : index
        %get3A_33 = tpu.vector_load %arg11[%get3A_31, %get3A_32] {strides = array<i32>} : memref<128x128xf32, #tpu.memory_space<vmem>>, vector<1x16xf32>,
        %get3A_34 = vector.shape_cast %get3A_33 : vector<1x16xf32> to vector<16xf32>
        %add3A_35 = arith.addf %get3A_30, %get3A_34 : vector<16xf32>
        %max3A = arith.constant 0.000000e+00 : f32
        %max3A_36 = vector.broadcast %max3A : f32 to vector<16xf32>
        %max3A_37 = arith.maximumf %add3A_35, %max3A_36 : vector<16xf32>
        %swap3A = arith.index_cast %scan3A_27 : i32 to index
        %swap3A_38 = arith.constant 0 : index
        %swap3A_39 = tpu.vector_load %arg10[%swap3A, %swap3A_38] {strides = array<i32>} : memref<128x128xf32, #tpu.memory_space<vmem>>, vector<1x16xf32>,
        %swap3A_40 = vector.shape_cast %swap3A_39 : vector<1x16xf32> to vector<16xf32>
        %swap3A_41 = vector.shape_cast %max3A_37 : vector<16xf32> to vector<1x16xf32>
        tpu.vector_store %arg10[%swap3A, %swap3A_38], %swap3A_41 {strides = array<i32>} : memref<128x128xf32, #tpu.memory_space<vmem>>, vector<1x16xf32>,
        %get3A_42 = arith.index_cast %scan3A_27 : i32 to index
        %get3A_43 = arith.constant 16 : index
        %get3A_44 = tpu.vector_load %arg10[%get3A_42, %get3A_43] {strides = array<i32>} : memref<128x128xf32, #tpu.memory_space<vmem>>, vector<1x16xf32>,
        %get3A_45 = vector.shape_cast %get3A_44 : vector<1x16xf32> to vector<16xf32>
        %get3A_46 = arith.index_cast %scan3A_27 : i32 to index
        %get3A_47 = arith.constant 16 : index
        %get3A_48 = tpu.vector_load %arg11[%get3A_46, %get3A_47] {strides = array<i32>} : memref<128x128xf32, #tpu.memory_space<vmem>>, vector<1x16xf32>,
        %get3A_49 = vector.shape_cast %get3A_48 : vector<1x16xf32> to vector<16xf32>
        %add3A_50 = arith.addf %get3A_45, %get3A_49 : vector<16xf32>
        %max3A_51 = arith.constant 0.000000e+00 : f32
        %max3A_52 = vector.broadcast %max3A_51 : f32 to vector<16xf32>
        %max3A_53 = arith.maximumf %add3A_50, %max3A_52 : vector<16xf32>
        %swap3A_54 = arith.index_cast %scan3A_27 : i32 to index
        %swap3A_55 = arith.constant 16 : index
        %swap3A_56 = tpu.vector_load %arg10[%swap3A_54, %swap3A_55] {strides = array<i32>} : memref<128x128xf32, #tpu.memory_space<vmem>>, vector<1x16xf32>,
        %swap3A_57 = vector.shape_cast %swap3A_56 : vector<1x16xf32> to vector<16xf32>
        %swap3A_58 = vector.shape_cast %max3A_53 : vector<16xf32> to vector<1x16xf32>
        tpu.vector_store %arg10[%swap3A_54, %swap3A_55], %swap3A_58 {strides = array<i32>} : memref<128x128xf32, #tpu.memory_space<vmem>>, vector<1x16xf32>,
        %get3A_59 = arith.index_cast %scan3A_27 : i32 to index
        %get3A_60 = arith.constant 32 : index
        %get3A_61 = tpu.vector_load %arg10[%get3A_59, %get3A_60] {strides = array<i32>} : memref<128x128xf32, #tpu.memory_space<vmem>>, vector<1x16xf32>,
        %get3A_62 = vector.shape_cast %get3A_61 : vector<1x16xf32> to vector<16xf32>
        %get3A_63 = arith.index_cast %scan3A_27 : i32 to index
        %get3A_64 = arith.constant 32 : index
        %get3A_65 = tpu.vector_load %arg11[%get3A_63, %get3A_64] {strides = array<i32>} : memref<128x128xf32, #tpu.memory_space<vmem>>, vector<1x16xf32>,
        %get3A_66 = vector.shape_cast %get3A_65 : vector<1x16xf32> to vector<16xf32>
        %add3A_67 = arith.addf %get3A_62, %get3A_66 : vector<16xf32>
        %max3A_68 = arith.constant 0.000000e+00 : f32
        %max3A_69 = vector.broadcast %max3A_68 : f32 to vector<16xf32>
        %max3A_70 = arith.maximumf %add3A_67, %max3A_69 : vector<16xf32>
        %swap3A_71 = arith.index_cast %scan3A_27 : i32 to index
        %swap3A_72 = arith.constant 32 : index
        %swap3A_73 = tpu.vector_load %arg10[%swap3A_71, %swap3A_72] {strides = array<i32>} : memref<128x128xf32, #tpu.memory_space<vmem>>, vector<1x16xf32>,
        %swap3A_74 = vector.shape_cast %swap3A_73 : vector<1x16xf32> to vector<16xf32>
        %swap3A_75 = vector.shape_cast %max3A_70 : vector<16xf32> to vector<1x16xf32>
        tpu.vector_store %arg10[%swap3A_71, %swap3A_72], %swap3A_75 {strides = array<i32>} : memref<128x128xf32, #tpu.memory_space<vmem>>, vector<1x16xf32>,
        %get3A_76 = arith.index_cast %scan3A_27 : i32 to index
        %get3A_77 = arith.constant 48 : index
        %get3A_78 = tpu.vector_load %arg10[%get3A_76, %get3A_77] {strides = array<i32>} : memref<128x128xf32, #tpu.memory_space<vmem>>, vector<1x16xf32>,
        %get3A_79 = vector.shape_cast %get3A_78 : vector<1x16xf32> to vector<16xf32>
        %get3A_80 = arith.index_cast %scan3A_27 : i32 to index
        %get3A_81 = arith.constant 48 : index
        %get3A_82 = tpu.vector_load %arg11[%get3A_80, %get3A_81] {strides = array<i32>} : memref<128x128xf32, #tpu.memory_space<vmem>>, vector<1x16xf32>,
        %get3A_83 = vector.shape_cast %get3A_82 : vector<1x16xf32> to vector<16xf32>
        %add3A_84 = arith.addf %get3A_79, %get3A_83 : vector<16xf32>
        %max3A_85 = arith.constant 0.000000e+00 : f32
        %max3A_86 = vector.broadcast %max3A_85 : f32 to vector<16xf32>
        %max3A_87 = arith.maximumf %add3A_84, %max3A_86 : vector<16xf32>
        %swap3A_88 = arith.index_cast %scan3A_27 : i32 to index
        %swap3A_89 = arith.constant 48 : index
        %swap3A_90 = tpu.vector_load %arg10[%swap3A_88, %swap3A_89] {strides = array<i32>} : memref<128x128xf32, #tpu.memory_space<vmem>>, vector<1x16xf32>,
        %swap3A_91 = vector.shape_cast %swap3A_90 : vector<1x16xf32> to vector<16xf32>
        %swap3A_92 = vector.shape_cast %max3A_87 : vector<16xf32> to vector<1x16xf32>
        tpu.vector_store %arg10[%swap3A_88, %swap3A_89], %swap3A_92 {strides = array<i32>} : memref<128x128xf32, #tpu.memory_space<vmem>>, vector<1x16xf32>,
        %get3A_93 = arith.index_cast %scan3A_27 : i32 to index
        %get3A_94 = arith.constant 64 : index
        %get3A_95 = tpu.vector_load %arg10[%get3A_93, %get3A_94] {strides = array<i32>} : memref<128x128xf32, #tpu.memory_space<vmem>>, vector<1x16xf32>,
        %get3A_96 = vector.shape_cast %get3A_95 : vector<1x16xf32> to vector<16xf32>
        %get3A_97 = arith.index_cast %scan3A_27 : i32 to index
        %get3A_98 = arith.constant 64 : index
        %get3A_99 = tpu.vector_load %arg11[%get3A_97, %get3A_98] {strides = array<i32>} : memref<128x128xf32, #tpu.memory_space<vmem>>, vector<1x16xf32>,
        %get3A_100 = vector.shape_cast %get3A_99 : vector<1x16xf32> to vector<16xf32>
        %add3A_101 = arith.addf %get3A_96, %get3A_100 : vector<16xf32>
        %max3A_102 = arith.constant 0.000000e+00 : f32
        %max3A_103 = vector.broadcast %max3A_102 : f32 to vector<16xf32>
        %max3A_104 = arith.maximumf %add3A_101, %max3A_103 : vector<16xf32>
        %swap3A_105 = arith.index_cast %scan3A_27 : i32 to index
        %swap3A_106 = arith.constant 64 : index
        %swap3A_107 = tpu.vector_load %arg10[%swap3A_105, %swap3A_106] {strides = array<i32>} : memref<128x128xf32, #tpu.memory_space<vmem>>, vector<1x16xf32>,
        %swap3A_108 = vector.shape_cast %swap3A_107 : vector<1x16xf32> to vector<16xf32>
        %swap3A_109 = vector.shape_cast %max3A_104 : vector<16xf32> to vector<1x16xf32>
        tpu.vector_store %arg10[%swap3A_105, %swap3A_106], %swap3A_109 {strides = array<i32>} : memref<128x128xf32, #tpu.memory_space<vmem>>, vector<1x16xf32>,
        %get3A_110 = arith.index_cast %scan3A_27 : i32 to index
        %get3A_111 = arith.constant 80 : index
        %get3A_112 = tpu.vector_load %arg10[%get3A_110, %get3A_111] {strides = array<i32>} : memref<128x128xf32, #tpu.memory_space<vmem>>, vector<1x16xf32>,
        %get3A_113 = vector.shape_cast %get3A_112 : vector<1x16xf32> to vector<16xf32>
        %get3A_114 = arith.index_cast %scan3A_27 : i32 to index
        %get3A_115 = arith.constant 80 : index
        %get3A_116 = tpu.vector_load %arg11[%get3A_114, %get3A_115] {strides = array<i32>} : memref<128x128xf32, #tpu.memory_space<vmem>>, vector<1x16xf32>,
        %get3A_117 = vector.shape_cast %get3A_116 : vector<1x16xf32> to vector<16xf32>
        %add3A_118 = arith.addf %get3A_113, %get3A_117 : vector<16xf32>
        %max3A_119 = arith.constant 0.000000e+00 : f32
        %max3A_120 = vector.broadcast %max3A_119 : f32 to vector<16xf32>
        %max3A_121 = arith.maximumf %add3A_118, %max3A_120 : vector<16xf32>
        %swap3A_122 = arith.index_cast %scan3A_27 : i32 to index
        %swap3A_123 = arith.constant 80 : index
        %swap3A_124 = tpu.vector_load %arg10[%swap3A_122, %swap3A_123] {strides = array<i32>} : memref<128x128xf32, #tpu.memory_space<vmem>>, vector<1x16xf32>,
        %swap3A_125 = vector.shape_cast %swap3A_124 : vector<1x16xf32> to vector<16xf32>
        %swap3A_126 = vector.shape_cast %max3A_121 : vector<16xf32> to vector<1x16xf32>
        tpu.vector_store %arg10[%swap3A_122, %swap3A_123], %swap3A_126 {strides = array<i32>} : memref<128x128xf32, #tpu.memory_space<vmem>>, vector<1x16xf32>,
        %get3A_127 = arith.index_cast %scan3A_27 : i32 to index
        %get3A_128 = arith.constant 96 : index
        %get3A_129 = tpu.vector_load %arg10[%get3A_127, %get3A_128] {strides = array<i32>} : memref<128x128xf32, #tpu.memory_space<vmem>>, vector<1x16xf32>,
        %get3A_130 = vector.shape_cast %get3A_129 : vector<1x16xf32> to vector<16xf32>
        %get3A_131 = arith.index_cast %scan3A_27 : i32 to index
        %get3A_132 = arith.constant 96 : index
        %get3A_133 = tpu.vector_load %arg11[%get3A_131, %get3A_132] {strides = array<i32>} : memref<128x128xf32, #tpu.memory_space<vmem>>, vector<1x16xf32>,
        %get3A_134 = vector.shape_cast %get3A_133 : vector<1x16xf32> to vector<16xf32>
        %add3A_135 = arith.addf %get3A_130, %get3A_134 : vector<16xf32>
        %max3A_136 = arith.constant 0.000000e+00 : f32
        %max3A_137 = vector.broadcast %max3A_136 : f32 to vector<16xf32>
        %max3A_138 = arith.maximumf %add3A_135, %max3A_137 : vector<16xf32>
        %swap3A_139 = arith.index_cast %scan3A_27 : i32 to index
        %swap3A_140 = arith.constant 96 : index
        %swap3A_141 = tpu.vector_load %arg10[%swap3A_139, %swap3A_140] {strides = array<i32>} : memref<128x128xf32, #tpu.memory_space<vmem>>, vector<1x16xf32>,
        %swap3A_142 = vector.shape_cast %swap3A_141 : vector<1x16xf32> to vector<16xf32>
        %swap3A_143 = vector.shape_cast %max3A_138 : vector<16xf32> to vector<1x16xf32>
        tpu.vector_store %arg10[%swap3A_139, %swap3A_140], %swap3A_143 {strides = array<i32>} : memref<128x128xf32, #tpu.memory_space<vmem>>, vector<1x16xf32>,
        %get3A_144 = arith.index_cast %scan3A_27 : i32 to index
        %get3A_145 = arith.constant 112 : index
        %get3A_146 = tpu.vector_load %arg10[%get3A_144, %get3A_145] {strides = array<i32>} : memref<128x128xf32, #tpu.memory_space<vmem>>, vector<1x16xf32>,
        %get3A_147 = vector.shape_cast %get3A_146 : vector<1x16xf32> to vector<16xf32>
        %get3A_148 = arith.index_cast %scan3A_27 : i32 to index
        %get3A_149 = arith.constant 112 : index
        %get3A_150 = tpu.vector_load %arg11[%get3A_148, %get3A_149] {strides = array<i32>} : memref<128x128xf32, #tpu.memory_space<vmem>>, vector<1x16xf32>,
        %get3A_151 = vector.shape_cast %get3A_150 : vector<1x16xf32> to vector<16xf32>
        %add3A_152 = arith.addf %get3A_147, %get3A_151 : vector<16xf32>
        %max3A_153 = arith.constant 0.000000e+00 : f32
        %max3A_154 = vector.broadcast %max3A_153 : f32 to vector<16xf32>
        %max3A_155 = arith.maximumf %add3A_152, %max3A_154 : vector<16xf32>
        %swap3A_156 = arith.index_cast %scan3A_27 : i32 to index
        %swap3A_157 = arith.constant 112 : index
        %swap3A_158 = tpu.vector_load %arg10[%swap3A_156, %swap3A_157] {strides = array<i32>} : memref<128x128xf32, #tpu.memory_space<vmem>>, vector<1x16xf32>,
        %swap3A_159 = vector.shape_cast %swap3A_158 : vector<1x16xf32> to vector<16xf32>
        %swap3A_160 = vector.shape_cast %max3A_155 : vector<16xf32> to vector<1x16xf32>
        tpu.vector_store %arg10[%swap3A_156, %swap3A_157], %swap3A_160 {strides = array<i32>} : memref<128x128xf32, #tpu.memory_space<vmem>>, vector<1x16xf32>,
      }
      %scan3A_26 = arith.constant 128 : i32
      %run_scoped3A = arith.constant 0 : i32
      "tpu.region"() ({
        %run_scoped3A_27 = tpu.sem_alloc : memref<!tpu.dma_semaphore, #tpu.memory_space<semaphore_mem>>
        %dma_start3A_28 = arith.constant 0 : i32
        %dma_start3A_29 = tpu.memref_slice %arg9[%run_scoped3A, %dma_start3A_28] : memref<1x128xi32, #tpu.memory_space<vmem>> -> memref<1x128xi32, #tpu.memory_space<vmem>>
        %dma_start3A_30 = tpu.memref_squeeze %dma_start3A_29 : memref<1x128xi32, #tpu.memory_space<vmem>> -> memref<128xi32, #tpu.memory_space<vmem>>
        %dma_start3A_31 = arith.constant 0 : i32
        %dma_start3A_32 = arith.constant 0 : i32
        %dma_start3A_33 = tpu.memref_slice %arg12[%dma_start3A_31, %dma_start3A_32] : memref<10112x128xf32, #tpu.memory_space<vmem_shared>> -> memref<10112x128xf32, #tpu.memory_space<vmem_shared>>
        tpu.enqueue_indirect_dma source(%arg10 : memref<128x128xf32, #tpu.memory_space<vmem>>) target(%dma_start3A_33 : memref<10112x128xf32, #tpu.memory_space<vmem_shared>>) offsets(%dma_start3A_30 : memref<128xi32, #tpu.memory_space<vmem>>) semaphore(%run_scoped3A_27 : memref<!tpu.dma_semaphore, #tpu.memory_space<semaphore_mem>>) {add = true}
        %dma_wait3A_34 = arith.constant 0 : i32
        %dma_wait3A_35 = tpu.memref_slice %arg9[%run_scoped3A, %dma_wait3A_34] : memref<1x128xi32, #tpu.memory_space<vmem>> -> memref<1x128xi32, #tpu.memory_space<vmem>>
        %dma_wait3A_36 = tpu.memref_squeeze %dma_wait3A_35 : memref<1x128xi32, #tpu.memory_space<vmem>> -> memref<128xi32, #tpu.memory_space<vmem>>
        %dma_wait3A_37 = arith.constant 0 : i32
        %dma_wait3A_38 = arith.constant 0 : i32
        %dma_wait3A_39 = tpu.memref_slice %arg12[%dma_wait3A_37, %dma_wait3A_38] : memref<10112x128xf32, #tpu.memory_space<vmem_shared>> -> memref<10112x128xf32, #tpu.memory_space<vmem_shared>>
        tpu.wait_indirect_dma semaphore(%run_scoped3A_27 : memref<!tpu.dma_semaphore, #tpu.memory_space<semaphore_mem>>) src(%arg10 : memref<128x128xf32, #tpu.memory_space<vmem>>) dst(%dma_wait3A_39 : memref<10112x128xf32, #tpu.memory_space<vmem_shared>>)
        tpu.yield
      }) : () -> ()
    }
    %scan3A_9 = arith.constant 79 : i32
    %barrier3A_10 = arith.constant 0 : index
    tpu.barrier barrier_id(%barrier3A_10)
    "tpu.region"() ({
      %run_scoped3A = tpu.sem_alloc : memref<!tpu.dma_semaphore, #tpu.memory_space<semaphore_mem>>
      %dma_start3A = arith.constant 0 : i32
      %dma_start3A_11 = tpu.memref_slice %arg7[%arg0, %mul3A_2, %dma_start3A] : memref<2x10112x128xf32, #tpu.memory_space<hbm>> -> memref<1x632x128xf32, #tpu.memory_space<hbm>>
      %dma_start3A_12 = tpu.memref_squeeze %dma_start3A_11 : memref<1x632x128xf32, #tpu.memory_space<hbm>> -> memref<632x128xf32, #tpu.memory_space<hbm>>
      %dma_start3A_13 = arith.constant 0 : i32
      %dma_start3A_14 = tpu.memref_slice %arg12[%mul3A_2, %dma_start3A_13] : memref<10112x128xf32, #tpu.memory_space<vmem_shared>> -> memref<632x128xf32, #tpu.memory_space<vmem_shared>>
      tpu.enqueue_dma source(%dma_start3A_14 : memref<632x128xf32, #tpu.memory_space<vmem_shared>>) target(%dma_start3A_12 : memref<632x128xf32, #tpu.memory_space<hbm>>) target_semaphore(%run_scoped3A : memref<!tpu.dma_semaphore, #tpu.memory_space<semaphore_mem>>)
      %dma_wait3A = arith.constant 0 : i32
      %dma_wait3A_15 = tpu.memref_slice %arg7[%arg0, %mul3A_2, %dma_wait3A] : memref<2x10112x128xf32, #tpu.memory_space<hbm>> -> memref<1x632x128xf32, #tpu.memory_space<hbm>>
      %dma_wait3A_16 = tpu.memref_squeeze %dma_wait3A_15 : memref<1x632x128xf32, #tpu.memory_space<hbm>> -> memref<632x128xf32, #tpu.memory_space<hbm>>
      %dma_wait3A_17 = arith.constant 0 : i32
      %dma_wait3A_18 = tpu.memref_slice %arg12[%mul3A_2, %dma_wait3A_17] : memref<10112x128xf32, #tpu.memory_space<vmem_shared>> -> memref<632x128xf32, #tpu.memory_space<vmem_shared>>
      tpu.wait_dma2 semaphore(%run_scoped3A : memref<!tpu.dma_semaphore, #tpu.memory_space<semaphore_mem>>) src(%dma_wait3A_18 : memref<632x128xf32, #tpu.memory_space<vmem_shared>>) dst(%dma_wait3A_16 : memref<632x128xf32, #tpu.memory_space<hbm>>)
      tpu.yield
    }) : () -> ()
    return
  }
}

module attributes {stable_mosaic.version = 14 : i64} {
  func.func @_e_mm_body(%arg0: i32, %arg1: memref<1024x16xf32, #tpu.memory_space<vmem>>, %arg2: memref<16x128xf32, #tpu.memory_space<vmem>>, %arg3: memref<1x128xf32, #tpu.memory_space<vmem>>, %arg4: memref<1024x128xf32, #tpu.memory_space<vmem>>) attributes {dimension_semantics = [#tpu.dimension_semantics<arbitrary>], iteration_bounds = array<i64: 316>, scalar_prefetch = 0 : i64, scratch_operands = 0 : i64, tpu.core_type = #tpu.core_type<tc>, window_params = [{transform_indices = @transform_0, window_bounds = array<i64: 1024, 16>}, {pipeline_mode = #tpu.pipeline_mode<synchronous>, transform_indices = @transform_1, window_bounds = array<i64: 16, 128>}, {pipeline_mode = #tpu.pipeline_mode<synchronous>, transform_indices = @transform_2, window_bounds = array<i64: 1, 128>}, {transform_indices = @transform_3, window_bounds = array<i64: 1024, 128>}]} {
    %get3A = arith.constant 0 : index
    %get3A_0 = arith.constant 0 : index
    %get3A_1 = vector.load %arg1[%get3A, %get3A_0] : memref<1024x16xf32, #tpu.memory_space<vmem>>, vector<1024x16xf32>
    %get3A_2 = arith.constant 0 : index
    %get3A_3 = arith.constant 0 : index
    %get3A_4 = vector.load %arg2[%get3A_2, %get3A_3] : memref<16x128xf32, #tpu.memory_space<vmem>>, vector<16x128xf32>
    %dot_general3A = arith.constant dense<0.000000e+00> : vector<1024x128xf32>
    %dot_general3A_5 = tpu.matmul %get3A_1, %get3A_4, %dot_general3A {dimension_numbers = #tpu.dot_dimension_numbers<[1], [0], [0], [1], [0, 0, 1, 1], [], []>, transpose_lhs_hint = false} : vector<1024x16xf32>, vector<16x128xf32>, vector<1024x128xf32> -> vector<1024x128xf32>
    %get3A_6 = arith.constant 0 : index
    %get3A_7 = arith.constant 0 : index
    %get3A_8 = vector.load %arg3[%get3A_6, %get3A_7] : memref<1x128xf32, #tpu.memory_space<vmem>>, vector<1x128xf32>
    %add3A = vector.broadcast %get3A_8 : vector<1x128xf32> to vector<1024x128xf32>
    %add3A_9 = arith.addf %dot_general3A_5, %add3A : vector<1024x128xf32>
    %swap3A = arith.constant 0 : index
    %swap3A_10 = arith.constant 0 : index
    %swap3A_11 = vector.load %arg4[%swap3A, %swap3A_10] : memref<1024x128xf32, #tpu.memory_space<vmem>>, vector<1024x128xf32>
    tpu.vector_store %arg4[%swap3A, %swap3A_10], %add3A_9 {strides = array<i32>} : memref<1024x128xf32, #tpu.memory_space<vmem>>, vector<1024x128xf32>,
    return
  }
  func.func @transform_0(%arg0: i32) -> (i32, i32) {
    %c0_i32 = arith.constant 0 : i32
    %c0_i32_0 = arith.constant 0 : i32
    return %arg0, %c0_i32 : i32, i32
  }
  func.func @transform_1(%arg0: i32) -> (i32, i32) {
    %c0_i32 = arith.constant 0 : i32
    %c0_i32_0 = arith.constant 0 : i32
    %c0_i32_1 = arith.constant 0 : i32
    return %c0_i32, %c0_i32_0 : i32, i32
  }
  func.func @transform_2(%arg0: i32) -> (i32, i32) {
    %c0_i32 = arith.constant 0 : i32
    %c0_i32_0 = arith.constant 0 : i32
    %c0_i32_1 = arith.constant 0 : i32
    return %c0_i32, %c0_i32_0 : i32, i32
  }
  func.func @transform_3(%arg0: i32) -> (i32, i32) {
    %c0_i32 = arith.constant 0 : i32
    %c0_i32_0 = arith.constant 0 : i32
    return %arg0, %c0_i32 : i32, i32
  }
}

module attributes {stable_mosaic.version = 14 : i64} {
  func.func @_pre_body(%arg0: i32, %arg1: memref<1000x128xf32, #tpu.memory_space<vmem>>, %arg2: memref<1000x1xi32, #tpu.memory_space<vmem>>, %arg3: memref<128x128xf32, #tpu.memory_space<vmem>>, %arg4: memref<1000x128xf32, #tpu.memory_space<vmem>>, %arg5: memref<128x128xf32, #tpu.memory_space<vmem>>) attributes {dimension_semantics = [#tpu.dimension_semantics<arbitrary>], iteration_bounds = array<i64: 10>, scalar_prefetch = 0 : i64, scratch_operands = 0 : i64, tpu.core_type = #tpu.core_type<tc>, window_params = [{transform_indices = @transform_0, window_bounds = array<i64: 1000, 128>}, {transform_indices = @transform_1, window_bounds = array<i64: 1000, 1>}, {pipeline_mode = #tpu.pipeline_mode<synchronous>, transform_indices = @transform_2, window_bounds = array<i64: 128, 128>}, {transform_indices = @transform_3, window_bounds = array<i64: 1000, 128>}, {pipeline_mode = #tpu.pipeline_mode<synchronous>, transform_indices = @transform_4, window_bounds = array<i64: 128, 128>}]} {
    %iota3A = tpu.iota {dimensions = array<i32: 1>} : vector<1000x128xi32>
    %get3A = arith.constant 0 : index
    %get3A_0 = arith.constant 0 : index
    %get3A_1 = vector.load %arg2[%get3A, %get3A_0] : memref<1000x1xi32, #tpu.memory_space<vmem>>, vector<1000x1xi32>
    %eq3A = vector.broadcast %get3A_1 : vector<1000x1xi32> to vector<1000x128xi32>
    %eq3A_2 = arith.cmpi eq, %eq3A, %iota3A : vector<1000x128xi32>
    %jit3A = arith.constant 1.000000e+00 : f32
    %jit3A_3 = arith.constant 0.000000e+00 : f32
    %broadcast_in_dim3A = vector.broadcast %jit3A : f32 to vector<1000x128xf32>
    %broadcast_in_dim3A_4 = vector.broadcast %jit3A_3 : f32 to vector<1000x128xf32>
    %select_n3A = arith.select %eq3A_2, %broadcast_in_dim3A, %broadcast_in_dim3A_4 : vector<1000x128xi1>, vector<1000x128xf32>
    %get3A_5 = arith.constant 0 : index
    %get3A_6 = arith.constant 0 : index
    %get3A_7 = vector.load %arg1[%get3A_5, %get3A_6] : memref<1000x128xf32, #tpu.memory_space<vmem>>, vector<1000x128xf32>
    %get3A_8 = arith.constant 0 : index
    %get3A_9 = arith.constant 0 : index
    %get3A_10 = vector.load %arg3[%get3A_8, %get3A_9] : memref<128x128xf32, #tpu.memory_space<vmem>>, vector<128x128xf32>
    %dot_general3A = arith.constant dense<0.000000e+00> : vector<1000x128xf32>
    %dot_general3A_11 = tpu.matmul %select_n3A, %get3A_10, %dot_general3A {dimension_numbers = #tpu.dot_dimension_numbers<[1], [0], [0], [1], [0, 0, 1, 1], [], []>, transpose_lhs_hint = false} : vector<1000x128xf32>, vector<128x128xf32>, vector<1000x128xf32> -> vector<1000x128xf32>
    %add3A = arith.addf %get3A_7, %dot_general3A_11 : vector<1000x128xf32>
    %swap3A = arith.constant 0 : index
    %swap3A_12 = arith.constant 0 : index
    %swap3A_13 = vector.load %arg4[%swap3A, %swap3A_12] : memref<1000x128xf32, #tpu.memory_space<vmem>>, vector<1000x128xf32>
    tpu.vector_store %arg4[%swap3A, %swap3A_12], %add3A {strides = array<i32>} : memref<1000x128xf32, #tpu.memory_space<vmem>>, vector<1000x128xf32>,
    %dot_general3A_14 = arith.constant dense<0.000000e+00> : vector<128x128xf32>
    %dot_general3A_15 = tpu.matmul %select_n3A, %add3A, %dot_general3A_14 {dimension_numbers = #tpu.dot_dimension_numbers<[0], [0], [1], [1], [0, 1, 1, 1], [], []>, transpose_lhs_hint = false} : vector<1000x128xf32>, vector<1000x128xf32>, vector<128x128xf32> -> vector<128x128xf32>
    %eq3A_16 = arith.constant 0 : i32
    %eq3A_17 = arith.cmpi eq, %arg0, %eq3A_16 : i32
    %convert_element_type3A = arith.extui %eq3A_17 : i1 to i32
    %cond3A = arith.constant 0 : i32
    %cond3A_18 = arith.cmpi ne, %convert_element_type3A, %cond3A : i32
    scf.if %cond3A_18 {
      %broadcast_in_dim3A_26 = arith.constant 0.000000e+00 : f32
      %broadcast_in_dim3A_27 = vector.broadcast %broadcast_in_dim3A_26 : f32 to vector<128x128xf32>
      %swap3A_28 = arith.constant 0 : index
      %swap3A_29 = arith.constant 0 : index
      %swap3A_30 = vector.load %arg5[%swap3A_28, %swap3A_29] : memref<128x128xf32, #tpu.memory_space<vmem>>, vector<128x128xf32>
      tpu.vector_store %arg5[%swap3A_28, %swap3A_29], %broadcast_in_dim3A_27 {strides = array<i32>} : memref<128x128xf32, #tpu.memory_space<vmem>>, vector<128x128xf32>,
    } else {
    }
    %get3A_19 = arith.constant 0 : index
    %get3A_20 = arith.constant 0 : index
    %get3A_21 = vector.load %arg5[%get3A_19, %get3A_20] : memref<128x128xf32, #tpu.memory_space<vmem>>, vector<128x128xf32>
    %add3A_22 = arith.addf %get3A_21, %dot_general3A_15 : vector<128x128xf32>
    %swap3A_23 = arith.constant 0 : index
    %swap3A_24 = arith.constant 0 : index
    %swap3A_25 = vector.load %arg5[%swap3A_23, %swap3A_24] : memref<128x128xf32, #tpu.memory_space<vmem>>, vector<128x128xf32>
    tpu.vector_store %arg5[%swap3A_23, %swap3A_24], %add3A_22 {strides = array<i32>} : memref<128x128xf32, #tpu.memory_space<vmem>>, vector<128x128xf32>,
    return
  }
  func.func @transform_0(%arg0: i32) -> (i32, i32) {
    %c0_i32 = arith.constant 0 : i32
    %c0_i32_0 = arith.constant 0 : i32
    return %arg0, %c0_i32 : i32, i32
  }
  func.func @transform_1(%arg0: i32) -> (i32, i32) {
    %c0_i32 = arith.constant 0 : i32
    %c0_i32_0 = arith.constant 0 : i32
    return %arg0, %c0_i32 : i32, i32
  }
  func.func @transform_2(%arg0: i32) -> (i32, i32) {
    %c0_i32 = arith.constant 0 : i32
    %c0_i32_0 = arith.constant 0 : i32
    %c0_i32_1 = arith.constant 0 : i32
    return %c0_i32, %c0_i32_0 : i32, i32
  }
  func.func @transform_3(%arg0: i32) -> (i32, i32) {
    %c0_i32 = arith.constant 0 : i32
    %c0_i32_0 = arith.constant 0 : i32
    return %arg0, %c0_i32 : i32, i32
  }
  func.func @transform_4(%arg0: i32) -> (i32, i32) {
    %c0_i32 = arith.constant 0 : i32
    %c0_i32_0 = arith.constant 0 : i32
    %c0_i32_1 = arith.constant 0 : i32
    return %c0_i32, %c0_i32_0 : i32, i32
  }
}

module attributes {stable_mosaic.version = 14 : i64} {
  func.func @_vn_body(%arg0: memref<128x128xf32, #tpu.memory_space<vmem>>, %arg1: memref<128x128xf32, #tpu.memory_space<vmem>>, %arg2: memref<128x256xf32, #tpu.memory_space<vmem>>, %arg3: memref<1x256xf32, #tpu.memory_space<vmem>>, %arg4: memref<1x1xf32, #tpu.memory_space<vmem>>, %arg5: memref<256x128xf32, #tpu.memory_space<vmem>>, %arg6: memref<1x128xf32, #tpu.memory_space<vmem>>, %arg7: memref<1x1xf32, #tpu.memory_space<vmem>>, %arg8: memref<128x128xf32, #tpu.memory_space<vmem>>) attributes {dimension_semantics = [], scalar_prefetch = 0 : i64, scratch_operands = 0 : i64, tpu.core_type = #tpu.core_type<tc>} {
    %get3A = arith.constant 0 : index
    %get3A_0 = arith.constant 0 : index
    %get3A_1 = vector.load %arg0[%get3A, %get3A_0] : memref<128x128xf32, #tpu.memory_space<vmem>>, vector<128x128xf32>
    %get3A_2 = arith.constant 0 : index
    %get3A_3 = arith.constant 0 : index
    %get3A_4 = vector.load %arg1[%get3A_2, %get3A_3] : memref<128x128xf32, #tpu.memory_space<vmem>>, vector<128x128xf32>
    %add3A = arith.addf %get3A_1, %get3A_4 : vector<128x128xf32>
    %get3A_5 = arith.constant 0 : index
    %get3A_6 = arith.constant 0 : index
    %get3A_7 = vector.load %arg2[%get3A_5, %get3A_6] : memref<128x256xf32, #tpu.memory_space<vmem>>, vector<128x256xf32>
    %dot_general3A = arith.constant dense<0.000000e+00> : vector<128x256xf32>
    %dot_general3A_8 = tpu.matmul %add3A, %get3A_7, %dot_general3A {dimension_numbers = #tpu.dot_dimension_numbers<[1], [0], [0], [1], [0, 0, 1, 1], [], []>, transpose_lhs_hint = false} : vector<128x128xf32>, vector<128x256xf32>, vector<128x256xf32> -> vector<128x256xf32>
    %get3A_9 = arith.constant 0 : index
    %get3A_10 = arith.constant 0 : index
    %get3A_11 = vector.load %arg3[%get3A_9, %get3A_10] : memref<1x256xf32, #tpu.memory_space<vmem>>, vector<1x256xf32>
    %add3A_12 = vector.broadcast %get3A_11 : vector<1x256xf32> to vector<128x256xf32>
    %add3A_13 = arith.addf %dot_general3A_8, %add3A_12 : vector<128x256xf32>
    %get3A_14 = arith.constant 0 : index
    %get3A_15 = arith.constant 0 : index
    %get3A_16 = vector.load %arg4[%get3A_14, %get3A_15] : memref<1x1xf32, #tpu.memory_space<vmem>>, vector<1x1xf32>
    %get3A_17 = vector.extract %get3A_16[0, 0] : f32 from vector<1x1xf32>
    %ge3A = arith.constant 0.000000e+00 : f32
    %ge3A_18 = vector.broadcast %ge3A : f32 to vector<128x256xf32>
    %ge3A_19 = arith.cmpf oge, %add3A_13, %ge3A_18 : vector<128x256xf32>
    %mul3A = vector.broadcast %get3A_17 : f32 to vector<128x256xf32>
    %mul3A_20 = arith.mulf %mul3A, %add3A_13 : vector<128x256xf32>
    %select_n3A = arith.select %ge3A_19, %add3A_13, %mul3A_20 : vector<128x256xi1>, vector<128x256xf32>
    %get3A_21 = arith.constant 0 : index
    %get3A_22 = arith.constant 0 : index
    %get3A_23 = vector.load %arg5[%get3A_21, %get3A_22] : memref<256x128xf32, #tpu.memory_space<vmem>>, vector<256x128xf32>
    %dot_general3A_24 = arith.constant dense<0.000000e+00> : vector<128x128xf32>
    %dot_general3A_25 = tpu.matmul %select_n3A, %get3A_23, %dot_general3A_24 {dimension_numbers = #tpu.dot_dimension_numbers<[1], [0], [0], [1], [0, 0, 1, 1], [], []>, transpose_lhs_hint = false} : vector<128x256xf32>, vector<256x128xf32>, vector<128x128xf32> -> vector<128x128xf32>
    %get3A_26 = arith.constant 0 : index
    %get3A_27 = arith.constant 0 : index
    %get3A_28 = vector.load %arg6[%get3A_26, %get3A_27] : memref<1x128xf32, #tpu.memory_space<vmem>>, vector<1x128xf32>
    %add3A_29 = vector.broadcast %get3A_28 : vector<1x128xf32> to vector<128x128xf32>
    %add3A_30 = arith.addf %dot_general3A_25, %add3A_29 : vector<128x128xf32>
    %get3A_31 = arith.constant 0 : index
    %get3A_32 = arith.constant 0 : index
    %get3A_33 = vector.load %arg7[%get3A_31, %get3A_32] : memref<1x1xf32, #tpu.memory_space<vmem>>, vector<1x1xf32>
    %get3A_34 = vector.extract %get3A_33[0, 0] : f32 from vector<1x1xf32>
    %ge3A_35 = arith.constant 0.000000e+00 : f32
    %ge3A_36 = vector.broadcast %ge3A_35 : f32 to vector<128x128xf32>
    %ge3A_37 = arith.cmpf oge, %add3A_30, %ge3A_36 : vector<128x128xf32>
    %mul3A_38 = vector.broadcast %get3A_34 : f32 to vector<128x128xf32>
    %mul3A_39 = arith.mulf %mul3A_38, %add3A_30 : vector<128x128xf32>
    %select_n3A_40 = arith.select %ge3A_37, %add3A_30, %mul3A_39 : vector<128x128xi1>, vector<128x128xf32>
    %swap3A = arith.constant 0 : index
    %swap3A_41 = arith.constant 0 : index
    %swap3A_42 = vector.load %arg8[%swap3A, %swap3A_41] : memref<128x128xf32, #tpu.memory_space<vmem>>, vector<128x128xf32>
    tpu.vector_store %arg8[%swap3A, %swap3A_41], %select_n3A_40 {strides = array<i32>} : memref<128x128xf32, #tpu.memory_space<vmem>>, vector<128x128xf32>,
    return
  }
}

module attributes {stable_mosaic.version = 14 : i64} {
  func.func @_pre_body(%arg0: i32, %arg1: memref<1000x128xf32, #tpu.memory_space<vmem>>, %arg2: memref<1000x1xi32, #tpu.memory_space<vmem>>, %arg3: memref<128x128xf32, #tpu.memory_space<vmem>>, %arg4: memref<1000x128xf32, #tpu.memory_space<vmem>>, %arg5: memref<128x128xf32, #tpu.memory_space<vmem>>) attributes {dimension_semantics = [#tpu.dimension_semantics<arbitrary>], iteration_bounds = array<i64: 10>, scalar_prefetch = 0 : i64, scratch_operands = 0 : i64, tpu.core_type = #tpu.core_type<tc>, window_params = [{transform_indices = @transform_0, window_bounds = array<i64: 1000, 128>}, {transform_indices = @transform_1, window_bounds = array<i64: 1000, 1>}, {pipeline_mode = #tpu.pipeline_mode<synchronous>, transform_indices = @transform_2, window_bounds = array<i64: 128, 128>}, {transform_indices = @transform_3, window_bounds = array<i64: 1000, 128>}, {pipeline_mode = #tpu.pipeline_mode<synchronous>, transform_indices = @transform_4, window_bounds = array<i64: 128, 128>}]} {
    %iota3A = tpu.iota {dimensions = array<i32: 1>} : vector<1000x128xi32>
    %get3A = arith.constant 0 : index
    %get3A_0 = arith.constant 0 : index
    %get3A_1 = vector.load %arg2[%get3A, %get3A_0] : memref<1000x1xi32, #tpu.memory_space<vmem>>, vector<1000x1xi32>
    %eq3A = vector.broadcast %get3A_1 : vector<1000x1xi32> to vector<1000x128xi32>
    %eq3A_2 = arith.cmpi eq, %eq3A, %iota3A : vector<1000x128xi32>
    %jit3A = arith.constant 1.000000e+00 : f32
    %jit3A_3 = arith.constant 0.000000e+00 : f32
    %broadcast_in_dim3A = vector.broadcast %jit3A : f32 to vector<1000x128xf32>
    %broadcast_in_dim3A_4 = vector.broadcast %jit3A_3 : f32 to vector<1000x128xf32>
    %select_n3A = arith.select %eq3A_2, %broadcast_in_dim3A, %broadcast_in_dim3A_4 : vector<1000x128xi1>, vector<1000x128xf32>
    %get3A_5 = arith.constant 0 : index
    %get3A_6 = arith.constant 0 : index
    %get3A_7 = vector.load %arg1[%get3A_5, %get3A_6] : memref<1000x128xf32, #tpu.memory_space<vmem>>, vector<1000x128xf32>
    %get3A_8 = arith.constant 0 : index
    %get3A_9 = arith.constant 0 : index
    %get3A_10 = vector.load %arg3[%get3A_8, %get3A_9] : memref<128x128xf32, #tpu.memory_space<vmem>>, vector<128x128xf32>
    %dot_general3A = arith.constant dense<0.000000e+00> : vector<1000x128xf32>
    %dot_general3A_11 = tpu.matmul %select_n3A, %get3A_10, %dot_general3A {dimension_numbers = #tpu.dot_dimension_numbers<[1], [0], [0], [1], [0, 0, 1, 1], [], []>, transpose_lhs_hint = false} : vector<1000x128xf32>, vector<128x128xf32>, vector<1000x128xf32> -> vector<1000x128xf32>
    %add3A = arith.addf %get3A_7, %dot_general3A_11 : vector<1000x128xf32>
    %swap3A = arith.constant 0 : index
    %swap3A_12 = arith.constant 0 : index
    %swap3A_13 = vector.load %arg4[%swap3A, %swap3A_12] : memref<1000x128xf32, #tpu.memory_space<vmem>>, vector<1000x128xf32>
    tpu.vector_store %arg4[%swap3A, %swap3A_12], %add3A {strides = array<i32>} : memref<1000x128xf32, #tpu.memory_space<vmem>>, vector<1000x128xf32>,
    %dot_general3A_14 = arith.constant dense<0.000000e+00> : vector<128x128xf32>
    %dot_general3A_15 = tpu.matmul %select_n3A, %add3A, %dot_general3A_14 {dimension_numbers = #tpu.dot_dimension_numbers<[0], [0], [1], [1], [0, 1, 1, 1], [], []>, transpose_lhs_hint = false} : vector<1000x128xf32>, vector<1000x128xf32>, vector<128x128xf32> -> vector<128x128xf32>
    %eq3A_16 = arith.constant 0 : i32
    %eq3A_17 = arith.cmpi eq, %arg0, %eq3A_16 : i32
    %convert_element_type3A = arith.extui %eq3A_17 : i1 to i32
    %cond3A = arith.constant 0 : i32
    %cond3A_18 = arith.cmpi ne, %convert_element_type3A, %cond3A : i32
    scf.if %cond3A_18 {
      %broadcast_in_dim3A_26 = arith.constant 0.000000e+00 : f32
      %broadcast_in_dim3A_27 = vector.broadcast %broadcast_in_dim3A_26 : f32 to vector<128x128xf32>
      %swap3A_28 = arith.constant 0 : index
      %swap3A_29 = arith.constant 0 : index
      %swap3A_30 = vector.load %arg5[%swap3A_28, %swap3A_29] : memref<128x128xf32, #tpu.memory_space<vmem>>, vector<128x128xf32>
      tpu.vector_store %arg5[%swap3A_28, %swap3A_29], %broadcast_in_dim3A_27 {strides = array<i32>} : memref<128x128xf32, #tpu.memory_space<vmem>>, vector<128x128xf32>,
    } else {
    }
    %get3A_19 = arith.constant 0 : index
    %get3A_20 = arith.constant 0 : index
    %get3A_21 = vector.load %arg5[%get3A_19, %get3A_20] : memref<128x128xf32, #tpu.memory_space<vmem>>, vector<128x128xf32>
    %add3A_22 = arith.addf %get3A_21, %dot_general3A_15 : vector<128x128xf32>
    %swap3A_23 = arith.constant 0 : index
    %swap3A_24 = arith.constant 0 : index
    %swap3A_25 = vector.load %arg5[%swap3A_23, %swap3A_24] : memref<128x128xf32, #tpu.memory_space<vmem>>, vector<128x128xf32>
    tpu.vector_store %arg5[%swap3A_23, %swap3A_24], %add3A_22 {strides = array<i32>} : memref<128x128xf32, #tpu.memory_space<vmem>>, vector<128x128xf32>,
    return
  }
  func.func @transform_0(%arg0: i32) -> (i32, i32) {
    %c0_i32 = arith.constant 0 : i32
    %c0_i32_0 = arith.constant 0 : i32
    return %arg0, %c0_i32 : i32, i32
  }
  func.func @transform_1(%arg0: i32) -> (i32, i32) {
    %c0_i32 = arith.constant 0 : i32
    %c0_i32_0 = arith.constant 0 : i32
    return %arg0, %c0_i32 : i32, i32
  }
  func.func @transform_2(%arg0: i32) -> (i32, i32) {
    %c0_i32 = arith.constant 0 : i32
    %c0_i32_0 = arith.constant 0 : i32
    %c0_i32_1 = arith.constant 0 : i32
    return %c0_i32, %c0_i32_0 : i32, i32
  }
  func.func @transform_3(%arg0: i32) -> (i32, i32) {
    %c0_i32 = arith.constant 0 : i32
    %c0_i32_0 = arith.constant 0 : i32
    return %arg0, %c0_i32 : i32, i32
  }
  func.func @transform_4(%arg0: i32) -> (i32, i32) {
    %c0_i32 = arith.constant 0 : i32
    %c0_i32_0 = arith.constant 0 : i32
    %c0_i32_1 = arith.constant 0 : i32
    return %c0_i32, %c0_i32_0 : i32, i32
  }
}

module attributes {stable_mosaic.version = 14 : i64} {
  func.func @_mlp_body(%arg0: i32, %arg1: memref<2x1000x128xf32, #tpu.memory_space<vmem>>, %arg2: memref<1000x128xf32, #tpu.memory_space<vmem>>, %arg3: memref<128x256xf32, #tpu.memory_space<vmem>>, %arg4: memref<1x256xf32, #tpu.memory_space<vmem>>, %arg5: memref<256x128xf32, #tpu.memory_space<vmem>>, %arg6: memref<1x128xf32, #tpu.memory_space<vmem>>, %arg7: memref<1000x128xf32, #tpu.memory_space<vmem>>) attributes {dimension_semantics = [#tpu.dimension_semantics<arbitrary>], iteration_bounds = array<i64: 10>, scalar_prefetch = 0 : i64, scratch_operands = 0 : i64, tpu.core_type = #tpu.core_type<tc>, window_params = [{transform_indices = @transform_0, window_bounds = array<i64: 2, 1000, 128>}, {transform_indices = @transform_1, window_bounds = array<i64: 1000, 128>}, {pipeline_mode = #tpu.pipeline_mode<synchronous>, transform_indices = @transform_2, window_bounds = array<i64: 128, 256>}, {pipeline_mode = #tpu.pipeline_mode<synchronous>, transform_indices = @transform_3, window_bounds = array<i64: 1, 256>}, {pipeline_mode = #tpu.pipeline_mode<synchronous>, transform_indices = @transform_4, window_bounds = array<i64: 256, 128>}, {pipeline_mode = #tpu.pipeline_mode<synchronous>, transform_indices = @transform_5, window_bounds = array<i64: 1, 128>}, {transform_indices = @transform_6, window_bounds = array<i64: 1000, 128>}]} {
    %get3A = arith.constant 0 : index
    %get3A_0 = arith.constant 0 : index
    %get3A_1 = arith.constant 0 : index
    %get3A_2 = vector.load %arg1[%get3A, %get3A_0, %get3A_1] : memref<2x1000x128xf32, #tpu.memory_space<vmem>>, vector<1x1000x128xf32>
    %get3A_3 = vector.shape_cast %get3A_2 : vector<1x1000x128xf32> to vector<1000x128xf32>
    %get3A_4 = arith.constant 1 : index
    %get3A_5 = arith.constant 0 : index
    %get3A_6 = arith.constant 0 : index
    %get3A_7 = vector.load %arg1[%get3A_4, %get3A_5, %get3A_6] : memref<2x1000x128xf32, #tpu.memory_space<vmem>>, vector<1x1000x128xf32>
    %get3A_8 = vector.shape_cast %get3A_7 : vector<1x1000x128xf32> to vector<1000x128xf32>
    %add3A = arith.addf %get3A_3, %get3A_8 : vector<1000x128xf32>
    %get3A_9 = arith.constant 0 : index
    %get3A_10 = arith.constant 0 : index
    %get3A_11 = vector.load %arg2[%get3A_9, %get3A_10] : memref<1000x128xf32, #tpu.memory_space<vmem>>, vector<1000x128xf32>
    %add3A_12 = arith.addf %add3A, %get3A_11 : vector<1000x128xf32>
    %get3A_13 = arith.constant 0 : index
    %get3A_14 = arith.constant 0 : index
    %get3A_15 = vector.load %arg3[%get3A_13, %get3A_14] : memref<128x256xf32, #tpu.memory_space<vmem>>, vector<128x256xf32>
    %dot_general3A = arith.constant dense<0.000000e+00> : vector<1000x256xf32>
    %dot_general3A_16 = tpu.matmul %add3A_12, %get3A_15, %dot_general3A {dimension_numbers = #tpu.dot_dimension_numbers<[1], [0], [0], [1], [0, 0, 1, 1], [], []>, transpose_lhs_hint = false} : vector<1000x128xf32>, vector<128x256xf32>, vector<1000x256xf32> -> vector<1000x256xf32>
    %get3A_17 = arith.constant 0 : index
    %get3A_18 = arith.constant 0 : index
    %get3A_19 = vector.load %arg4[%get3A_17, %get3A_18] : memref<1x256xf32, #tpu.memory_space<vmem>>, vector<1x256xf32>
    %add3A_20 = vector.broadcast %get3A_19 : vector<1x256xf32> to vector<1000x256xf32>
    %add3A_21 = arith.addf %dot_general3A_16, %add3A_20 : vector<1000x256xf32>
    %max3A = arith.constant 0.000000e+00 : f32
    %max3A_22 = vector.broadcast %max3A : f32 to vector<1000x256xf32>
    %max3A_23 = arith.maximumf %add3A_21, %max3A_22 : vector<1000x256xf32>
    %get3A_24 = arith.constant 0 : index
    %get3A_25 = arith.constant 0 : index
    %get3A_26 = vector.load %arg5[%get3A_24, %get3A_25] : memref<256x128xf32, #tpu.memory_space<vmem>>, vector<256x128xf32>
    %dot_general3A_27 = arith.constant dense<0.000000e+00> : vector<1000x128xf32>
    %dot_general3A_28 = tpu.matmul %max3A_23, %get3A_26, %dot_general3A_27 {dimension_numbers = #tpu.dot_dimension_numbers<[1], [0], [0], [1], [0, 0, 1, 1], [], []>, transpose_lhs_hint = false} : vector<1000x256xf32>, vector<256x128xf32>, vector<1000x128xf32> -> vector<1000x128xf32>
    %get3A_29 = arith.constant 0 : index
    %get3A_30 = arith.constant 0 : index
    %get3A_31 = vector.load %arg6[%get3A_29, %get3A_30] : memref<1x128xf32, #tpu.memory_space<vmem>>, vector<1x128xf32>
    %add3A_32 = vector.broadcast %get3A_31 : vector<1x128xf32> to vector<1000x128xf32>
    %add3A_33 = arith.addf %dot_general3A_28, %add3A_32 : vector<1000x128xf32>
    %swap3A = arith.constant 0 : index
    %swap3A_34 = arith.constant 0 : index
    %swap3A_35 = vector.load %arg7[%swap3A, %swap3A_34] : memref<1000x128xf32, #tpu.memory_space<vmem>>, vector<1000x128xf32>
    tpu.vector_store %arg7[%swap3A, %swap3A_34], %add3A_33 {strides = array<i32>} : memref<1000x128xf32, #tpu.memory_space<vmem>>, vector<1000x128xf32>,
    return
  }
  func.func @transform_0(%arg0: i32) -> (i32, i32, i32) {
    %c0_i32 = arith.constant 0 : i32
    %c0_i32_0 = arith.constant 0 : i32
    %c0_i32_1 = arith.constant 0 : i32
    return %c0_i32, %arg0, %c0_i32_0 : i32, i32, i32
  }
  func.func @transform_1(%arg0: i32) -> (i32, i32) {
    %c0_i32 = arith.constant 0 : i32
    %c0_i32_0 = arith.constant 0 : i32
    return %arg0, %c0_i32 : i32, i32
  }
  func.func @transform_2(%arg0: i32) -> (i32, i32) {
    %c0_i32 = arith.constant 0 : i32
    %c0_i32_0 = arith.constant 0 : i32
    %c0_i32_1 = arith.constant 0 : i32
    return %c0_i32, %c0_i32_0 : i32, i32
  }
  func.func @transform_3(%arg0: i32) -> (i32, i32) {
    %c0_i32 = arith.constant 0 : i32
    %c0_i32_0 = arith.constant 0 : i32
    %c0_i32_1 = arith.constant 0 : i32
    return %c0_i32, %c0_i32_0 : i32, i32
  }
  func.func @transform_4(%arg0: i32) -> (i32, i32) {
    %c0_i32 = arith.constant 0 : i32
    %c0_i32_0 = arith.constant 0 : i32
    %c0_i32_1 = arith.constant 0 : i32
    return %c0_i32, %c0_i32_0 : i32, i32
  }
  func.func @transform_5(%arg0: i32) -> (i32, i32) {
    %c0_i32 = arith.constant 0 : i32
    %c0_i32_0 = arith.constant 0 : i32
    %c0_i32_1 = arith.constant 0 : i32
    return %c0_i32, %c0_i32_0 : i32, i32
  }
  func.func @transform_6(%arg0: i32) -> (i32, i32) {
    %c0_i32 = arith.constant 0 : i32
    %c0_i32_0 = arith.constant 0 : i32
    return %arg0, %c0_i32 : i32, i32
  }
}

module attributes {stable_mosaic.version = 14 : i64} {
  func.func @_final_body(%arg0: i32, %arg1: memref<1000x128xf32, #tpu.memory_space<vmem>>, %arg2: memref<1000x1xi32, #tpu.memory_space<vmem>>, %arg3: memref<128x128xf32, #tpu.memory_space<vmem>>, %arg4: memref<1x128xf32, #tpu.memory_space<vmem>>, %arg5: memref<128x128xf32, #tpu.memory_space<vmem>>, %arg6: memref<128x128xf32, #tpu.memory_space<vmem>>, %arg7: memref<128x128xf32, #tpu.memory_space<vmem>>) attributes {dimension_semantics = [#tpu.dimension_semantics<arbitrary>], iteration_bounds = array<i64: 10>, scalar_prefetch = 0 : i64, scratch_operands = 2 : i64, tpu.core_type = #tpu.core_type<tc>, window_params = [{transform_indices = @transform_0, window_bounds = array<i64: 1000, 128>}, {transform_indices = @transform_1, window_bounds = array<i64: 1000, 1>}, {pipeline_mode = #tpu.pipeline_mode<synchronous>, transform_indices = @transform_2, window_bounds = array<i64: 128, 128>}, {pipeline_mode = #tpu.pipeline_mode<synchronous>, transform_indices = @transform_3, window_bounds = array<i64: 1, 128>}, {pipeline_mode = #tpu.pipeline_mode<synchronous>, transform_indices = @transform_4, window_bounds = array<i64: 128, 128>}]} {
    %iota3A = tpu.iota {dimensions = array<i32: 1>} : vector<1000x128xi32>
    %get3A = arith.constant 0 : index
    %get3A_0 = arith.constant 0 : index
    %get3A_1 = vector.load %arg2[%get3A, %get3A_0] : memref<1000x1xi32, #tpu.memory_space<vmem>>, vector<1000x1xi32>
    %eq3A = vector.broadcast %get3A_1 : vector<1000x1xi32> to vector<1000x128xi32>
    %eq3A_2 = arith.cmpi eq, %eq3A, %iota3A : vector<1000x128xi32>
    %jit3A = arith.constant 1.000000e+00 : f32
    %jit3A_3 = arith.constant 0.000000e+00 : f32
    %broadcast_in_dim3A = vector.broadcast %jit3A : f32 to vector<1000x128xf32>
    %broadcast_in_dim3A_4 = vector.broadcast %jit3A_3 : f32 to vector<1000x128xf32>
    %select_n3A = arith.select %eq3A_2, %broadcast_in_dim3A, %broadcast_in_dim3A_4 : vector<1000x128xi1>, vector<1000x128xf32>
    %eq3A_5 = arith.constant 0 : i32
    %eq3A_6 = arith.cmpi eq, %arg0, %eq3A_5 : i32
    %convert_element_type3A = arith.extui %eq3A_6 : i1 to i32
    %cond3A = arith.constant 0 : i32
    %cond3A_7 = arith.cmpi ne, %convert_element_type3A, %cond3A : i32
    scf.if %cond3A_7 {
      %broadcast_in_dim3A_33 = arith.constant 0.000000e+00 : f32
      %broadcast_in_dim3A_34 = vector.broadcast %broadcast_in_dim3A_33 : f32 to vector<128x128xf32>
      %swap3A_35 = arith.constant 0 : index
      %swap3A_36 = arith.constant 0 : index
      %swap3A_37 = vector.load %arg6[%swap3A_35, %swap3A_36] : memref<128x128xf32, #tpu.memory_space<vmem>>, vector<128x128xf32>
      tpu.vector_store %arg6[%swap3A_35, %swap3A_36], %broadcast_in_dim3A_34 {strides = array<i32>} : memref<128x128xf32, #tpu.memory_space<vmem>>, vector<128x128xf32>,
      %broadcast_in_dim3A_38 = arith.constant 0.000000e+00 : f32
      %broadcast_in_dim3A_39 = vector.broadcast %broadcast_in_dim3A_38 : f32 to vector<128x128xf32>
      %swap3A_40 = arith.constant 0 : index
      %swap3A_41 = arith.constant 0 : index
      %swap3A_42 = vector.load %arg7[%swap3A_40, %swap3A_41] : memref<128x128xf32, #tpu.memory_space<vmem>>, vector<128x128xf32>
      tpu.vector_store %arg7[%swap3A_40, %swap3A_41], %broadcast_in_dim3A_39 {strides = array<i32>} : memref<128x128xf32, #tpu.memory_space<vmem>>, vector<128x128xf32>,
    } else {
    }
    %get3A_8 = arith.constant 0 : index
    %get3A_9 = arith.constant 0 : index
    %get3A_10 = vector.load %arg6[%get3A_8, %get3A_9] : memref<128x128xf32, #tpu.memory_space<vmem>>, vector<128x128xf32>
    %get3A_11 = arith.constant 0 : index
    %get3A_12 = arith.constant 0 : index
    %get3A_13 = vector.load %arg1[%get3A_11, %get3A_12] : memref<1000x128xf32, #tpu.memory_space<vmem>>, vector<1000x128xf32>
    %dot_general3A = arith.constant dense<0.000000e+00> : vector<128x128xf32>
    %dot_general3A_14 = tpu.matmul %select_n3A, %get3A_13, %dot_general3A {dimension_numbers = #tpu.dot_dimension_numbers<[0], [0], [1], [1], [0, 1, 1, 1], [], []>, transpose_lhs_hint = false} : vector<1000x128xf32>, vector<1000x128xf32>, vector<128x128xf32> -> vector<128x128xf32>
    %add3A = arith.addf %get3A_10, %dot_general3A_14 : vector<128x128xf32>
    %swap3A = arith.constant 0 : index
    %swap3A_15 = arith.constant 0 : index
    %swap3A_16 = vector.load %arg6[%swap3A, %swap3A_15] : memref<128x128xf32, #tpu.memory_space<vmem>>, vector<128x128xf32>
    tpu.vector_store %arg6[%swap3A, %swap3A_15], %add3A {strides = array<i32>} : memref<128x128xf32, #tpu.memory_space<vmem>>, vector<128x128xf32>,
    %broadcast_in_dim3A_17 = arith.constant 1.000000e+00 : f32
    %broadcast_in_dim3A_18 = vector.broadcast %broadcast_in_dim3A_17 : f32 to vector<1000x128xf32>
    %get3A_19 = arith.constant 0 : index
    %get3A_20 = arith.constant 0 : index
    %get3A_21 = vector.load %arg7[%get3A_19, %get3A_20] : memref<128x128xf32, #tpu.memory_space<vmem>>, vector<128x128xf32>
    %dot_general3A_22 = arith.constant dense<0.000000e+00> : vector<128x128xf32>
    %dot_general3A_23 = tpu.matmul %select_n3A, %broadcast_in_dim3A_18, %dot_general3A_22 {dimension_numbers = #tpu.dot_dimension_numbers<[0], [0], [1], [1], [0, 1, 1, 1], [], []>, transpose_lhs_hint = false} : vector<1000x128xf32>, vector<1000x128xf32>, vector<128x128xf32> -> vector<128x128xf32>
    %add3A_24 = arith.addf %get3A_21, %dot_general3A_23 : vector<128x128xf32>
    %swap3A_25 = arith.constant 0 : index
    %swap3A_26 = arith.constant 0 : index
    %swap3A_27 = vector.load %arg7[%swap3A_25, %swap3A_26] : memref<128x128xf32, #tpu.memory_space<vmem>>, vector<128x128xf32>
    tpu.vector_store %arg7[%swap3A_25, %swap3A_26], %add3A_24 {strides = array<i32>} : memref<128x128xf32, #tpu.memory_space<vmem>>, vector<128x128xf32>,
    %eq3A_28 = arith.constant 9 : i32
    %eq3A_29 = arith.cmpi eq, %arg0, %eq3A_28 : i32
    %convert_element_type3A_30 = arith.extui %eq3A_29 : i1 to i32
    %cond3A_31 = arith.constant 0 : i32
    %cond3A_32 = arith.cmpi ne, %convert_element_type3A_30, %cond3A_31 : i32
    scf.if %cond3A_32 {
      %get3A_33 = arith.constant 0 : index
      %get3A_34 = arith.constant 0 : index
      %get3A_35 = vector.load %arg6[%get3A_33, %get3A_34] : memref<128x128xf32, #tpu.memory_space<vmem>>, vector<128x128xf32>
      %get3A_36 = arith.constant 0 : index
      %get3A_37 = arith.constant 0 : index
      %get3A_38 = vector.load %arg7[%get3A_36, %get3A_37] : memref<128x128xf32, #tpu.memory_space<vmem>>, vector<128x128xf32>
      %max3A = arith.constant 1.000000e+00 : f32
      %max3A_39 = vector.broadcast %max3A : f32 to vector<128x128xf32>
      %max3A_40 = arith.maximumf %get3A_38, %max3A_39 : vector<128x128xf32>
      %div3A = arith.divf %get3A_35, %max3A_40 : vector<128x128xf32>
      %get3A_41 = arith.constant 0 : index
      %get3A_42 = arith.constant 0 : index
      %get3A_43 = vector.load %arg3[%get3A_41, %get3A_42] : memref<128x128xf32, #tpu.memory_space<vmem>>, vector<128x128xf32>
      %dot_general3A_44 = arith.constant dense<0.000000e+00> : vector<128x128xf32>
      %dot_general3A_45 = tpu.matmul %div3A, %get3A_43, %dot_general3A_44 {dimension_numbers = #tpu.dot_dimension_numbers<[1], [0], [0], [1], [0, 0, 1, 1], [], []>, transpose_lhs_hint = false} : vector<128x128xf32>, vector<128x128xf32>, vector<128x128xf32> -> vector<128x128xf32>
      %get3A_46 = arith.constant 0 : index
      %get3A_47 = arith.constant 0 : index
      %get3A_48 = vector.load %arg4[%get3A_46, %get3A_47] : memref<1x128xf32, #tpu.memory_space<vmem>>, vector<1x128xf32>
      %add3A_49 = vector.broadcast %get3A_48 : vector<1x128xf32> to vector<128x128xf32>
      %add3A_50 = arith.addf %dot_general3A_45, %add3A_49 : vector<128x128xf32>
      %swap3A_51 = arith.constant 0 : index
      %swap3A_52 = arith.constant 0 : index
      %swap3A_53 = vector.load %arg5[%swap3A_51, %swap3A_52] : memref<128x128xf32, #tpu.memory_space<vmem>>, vector<128x128xf32>
      tpu.vector_store %arg5[%swap3A_51, %swap3A_52], %add3A_50 {strides = array<i32>} : memref<128x128xf32, #tpu.memory_space<vmem>>, vector<128x128xf32>,
    } else {
    }
    return
  }
  func.func @transform_0(%arg0: i32) -> (i32, i32) {
    %c0_i32 = arith.constant 0 : i32
    %c0_i32_0 = arith.constant 0 : i32
    return %arg0, %c0_i32 : i32, i32
  }
  func.func @transform_1(%arg0: i32) -> (i32, i32) {
    %c0_i32 = arith.constant 0 : i32
    %c0_i32_0 = arith.constant 0 : i32
    return %arg0, %c0_i32 : i32, i32
  }
  func.func @transform_2(%arg0: i32) -> (i32, i32) {
    %c0_i32 = arith.constant 0 : i32
    %c0_i32_0 = arith.constant 0 : i32
    %c0_i32_1 = arith.constant 0 : i32
    return %c0_i32, %c0_i32_0 : i32, i32
  }
  func.func @transform_3(%arg0: i32) -> (i32, i32) {
    %c0_i32 = arith.constant 0 : i32
    %c0_i32_0 = arith.constant 0 : i32
    %c0_i32_1 = arith.constant 0 : i32
    return %c0_i32, %c0_i32_0 : i32, i32
  }
  func.func @transform_4(%arg0: i32) -> (i32, i32) {
    %c0_i32 = arith.constant 0 : i32
    %c0_i32_0 = arith.constant 0 : i32
    %c0_i32_1 = arith.constant 0 : i32
    return %c0_i32, %c0_i32_0 : i32, i32
  }
}

</mosaic_0001>

<sc_bundles>
// kernel: kernel.17.cloned.1.call-start
scs
__scs_entry_jumppad:
0x0: {  	(pc) =	sbr.rel $0x88, $3  }
0x1: {  	(tag) =	ssettag $0x0;
	lr =	simm.s32 $0x1  }
0x2: {  	[smem:$0x3F87] =	sst lr;
	_ =	strace $0xD0000000  }
0x3: {  	_ = 	snop  }
0x4: {  	_ = 	snop  }
0x5: {  	_ = 	snop  }
0x6: {  	_ = 	snop  }
0x7: {  	_ = 	snop  }
__scs_overlays_trampoline_lowered:
0x8: {  	[smem:$0x3F96] =	sst s0  }
0x9: {  	[smem:$0x3F97] =	sst s1  }
0xa: {  	[smem:$0x3F98] =	sst s2  }
0xb: {  	[smem:$0x3F99] =	sst s3  }
0xc: {  	[smem:$0x3F9A] =	sst s4  }
0xd: {  	[smem:$0x3F9B] =	sst s5  }
0xe: {  	[smem:$0x3F9C] =	sst s6  }
0xf: {  	[smem:$0x3F9D] =	sst s7  }
0x10: {  	[smem:$0x3F9E] =	sst s8  }
0x11: {  	[smem:$0x3F9F] =	sst s9;
	s0 =	simm.s32 @!p0 $0x0  }
0x12: {  	s1 =	sld [smem:$0x3F85];
	s0 =	simm.s32 @p0 $0x1  }
0x13: {  	[smem:$0x3FA0] =	sst s0;
	s0 =	simm.s32 @!p1 $0x0  }
0x14: {  	s2 =	sld [smem:$0x3F84];
	s0 =	simm.s32 @p1 $0x1  }
0x15: {  	[smem:$0x3FA1] =	sst s0;
	s0 =	simm.s32 @!p2 $0x0  }
0x16: {  	s3 =	sld [smem:$0x3FDB];
	s0 =	simm.s32 @p2 $0x1  }
0x17: {  	s4 =	simm.s32 $0x1BF5;
	[smem:$0x3FA3] =	sst s0  }
0x18: {  	s0 =	sld [smem:$0x3F86];
	_ =	swait.ge [sflag:s4], $0x0  }
0x19: {  	s7 =	sld [smem:$0x3F87]  }
0x1a: {  	s8 =	sadd.s32 $0xFFFFE003, lr  }
0x1b: {  	s9 =	sadd.s32 $0xFFFFFEF7, lr;
	s5 =	simm.s32 $0xFFFFFFFF;
	p2 =	slt.u32 s8, $0xFFFFF086  }
0x1c: {  	p1 =	slt.u32 s9, $0xF7A;
	s5 =	simm.s32 @!p2 $0x0  }
0x1d: {  	s5 =	simm.s32 @p1 $0x1;
	p0 =	seq.s32 s7, s2  }
0x1e: {  	s7 =	smul.u32 @!p0 $0xF7A, s2;
	p2 =	seq.s32 @!p0 s5, $0x0  }
0x1f: {  	s9 =	smul.u32 $0xF7A, s1;
	s8 =	simm.s32 @!p0 $0x1BF5;
	p2 =	por !p2, p0  }
0x20: {  	[sflag:s8] =	ssyncset.s32 @!p0 $0xFFFFF086;
	s6 =	sadd.s32 @!p0 s3, s7;
	s7 =	simm.s32 @!p0 $0x108  }
0x21: {  	s3 =	sadd.s32 s3, s9;
	s6 =	sadd.s32 @!p0 $0x88, s6;
	s7 =	simm.s32 @p2 $0x1082  }
0x22: {  	[simem:s7], [sflag:s8] =	dma.local @!p0 [hbm:s6], $0xF7A  }
0x23: {  	s9 =	sor.u32 $0xD0000000, s2;
	s6 =	simm.s32 $0x108;
	_ =	swait.ge @!p0 [sflag:s8], $0x0  }
0x24: {  	s3 =	sadd.s32 $0x88, s3;
	s6 =	simm.s32 @!p1 $0x1082;
	[sflag:s4] =	ssyncset.s32 $0xFFFFF086  }
0x25: {  	[simem:s6], [sflag:s4] =	dma.local [hbm:s3], $0xF7A  }
0x26: {  	[smem:$0x3F87] =	sst s1;
	(tag) =	ssettag s2;
	_ =	strace s9  }
0x27: {  	s1 =	sld [smem:$0x3F97]  }
0x28: {  	s2 =	sld [smem:$0x3F98]  }
0x29: {  	s4 =	sld [smem:$0x3F9A]  }
0x2a: {  	p0 =	seq.s32 s5, $0x0;
	s5 =	sld [smem:$0x3F9B]  }
0x2b: {  	s6 =	sld [smem:$0x3F9C]  }
0x2c: {  	s7 =	sld [smem:$0x3F9D]  }
0x2d: {  	s3 =	simm.s32 $0x108;
	s8 =	sld [smem:$0x3F9E]  }
0x2e: {  	s3 =	simm.s32 @!p0 $0x1082;
	s9 =	sld [smem:$0x3F9F]  }
0x2f: {  	lr =	sadd.s32 s0, s3;
	s0 =	sld [smem:$0x3F96]  }
0x30: {  	s3 =	sld [smem:$0x3F99]  }
0x31: {  	[smem:$0x3FA2] =	sst s10  }
0x32: {  	s10 =	sld [smem:$0x3FA0];
	_ =	sdelay $0x3  }
0x33: {  	p0 =	seq.s32 s10, $0x1;
	s10 =	sld [smem:$0x3FA2];
	_ =	sdelay $0x3  }
0x34: {  	[smem:$0x3FA2] =	sst s10  }
0x35: {  	s10 =	sld [smem:$0x3FA1];
	_ =	sdelay $0x3  }
0x36: {  	p1 =	seq.s32 s10, $0x1;
	s10 =	sld [smem:$0x3FA2];
	_ =	sdelay $0x3  }
0x37: {  	[smem:$0x3FA2] =	sst s10  }
0x38: {  	s10 =	sld [smem:$0x3FA3]  }
0x39: {  	_ = 	snop;
	(pc) =	sbr.ind lr, $3  }
0x3a: {  	_ = 	snop  }
0x3b: {  	_ = 	snop  }
0x3c: {  	p2 =	seq.s32 s10, $0x1;
	s10 =	sld [smem:$0x3FA2]  }
0x3d: {  	_ =	shalt  }
0x3e: {  	_ =	shalt  }
0x3f: {  	_ =	shalt  }
0x40: {  	_ =	shalt  }
0x41: {  	_ =	shalt  }
0x42: {  	_ =	shalt  }
0x43: {  	_ =	shalt  }
0x44: {  	_ =	shalt  }
0x45: {  	_ =	shalt  }
0x46: {  	_ =	shalt  }
0x47: {  	_ =	shalt  }
0x48: {  	_ =	shalt  }
0x49: {  	_ =	shalt  }
0x4a: {  	_ =	shalt  }
0x4b: {  	_ =	shalt  }
0x4c: {  	_ =	shalt  }
0x4d: {  	_ =	shalt  }
0x4e: {  	_ =	shalt  }
0x4f: {  	_ =	shalt  }
0x50: {  	_ =	shalt  }
0x51: {  	_ =	shalt  }
0x52: {  	_ =	shalt  }
0x53: {  	_ =	shalt  }
0x54: {  	_ =	shalt  }
0x55: {  	_ =	shalt  }
0x56: {  	_ =	shalt  }
0x57: {  	_ =	shalt  }
0x58: {  	_ =	shalt  }
0x59: {  	_ =	shalt  }
0x5a: {  	_ =	shalt  }
0x5b: {  	_ =	shalt  }
0x5c: {  	_ =	shalt  }
0x5d: {  	_ =	shalt  }
0x5e: {  	_ =	shalt  }
0x5f: {  	_ =	shalt  }
0x60: {  	_ =	shalt  }
0x61: {  	_ =	shalt  }
0x62: {  	_ =	shalt  }
0x63: {  	_ =	shalt  }
0x64: {  	_ =	shalt  }
0x65: {  	_ =	shalt  }
0x66: {  	_ =	shalt  }
0x67: {  	_ =	shalt  }
0x68: {  	_ =	shalt  }
0x69: {  	_ =	shalt  }
0x6a: {  	_ =	shalt  }
0x6b: {  	_ =	shalt  }
0x6c: {  	_ =	shalt  }
0x6d: {  	_ =	shalt  }
0x6e: {  	_ =	shalt  }
0x6f: {  	_ =	shalt  }
0x70: {  	_ =	shalt  }
0x71: {  	_ =	shalt  }
0x72: {  	_ =	shalt  }
0x73: {  	_ =	shalt  }
0x74: {  	_ =	shalt  }
0x75: {  	_ =	shalt  }
0x76: {  	_ =	shalt  }
0x77: {  	_ =	shalt  }
0x78: {  	_ =	shalt  }
0x79: {  	_ =	shalt  }
0x7a: {  	_ =	shalt  }
0x7b: {  	_ =	shalt  }
0x7c: {  	_ =	shalt  }
0x7d: {  	_ =	shalt  }
0x7e: {  	_ =	shalt  }
0x7f: {  	_ =	shalt  }
0x80: {  	_ =	shalt  }
0x81: {  	_ =	shalt  }
0x82: {  	_ =	shalt  }
0x83: {  	_ =	shalt  }
0x84: {  	_ =	shalt  }
0x85: {  	_ =	shalt  }
0x86: {  	_ =	shalt  }
0x87: {  	_ =	shalt  }
.Lfunc_end0:
.L_simem_size_0:
called_computation_lowered:
.L_overlay_start_0:
0x88: {  	s2 =	sld [smem:$0x3FD9]  }
0x89: {  	s3 =	sld [smem:$0x3FFE];
	_ =	sdelay $0x1  }
0x8a: {  	s1 =	srdreg.scid  }
0x8b: {  	s0 =	sand.u32 $0x1, s1  }
0x8c: {  	s16 =	sshll.u32 s0, $0xA;
	s2 =	sadd.s32 s3, s2  }
0x8d: {  	s2 =	sadd.s32 s2, s16  }
0x8e: {  	[smem:$0x3FAE] =	sst s2  }
0x8f: {  	_ = 	snop  }
0x90: {  	(tm) =	ssettm $0x1  }
0x91: {  	s17 =	sld [smem:$0x3FFB];
	_ =	sdelay $0x3  }
0x92: {  	_ =	strace s17  }
0x93: {  	s2 =	sld [smem:$0x3FFC];
	_ =	sdelay $0x3  }
0x94: {  	_ =	strace s2  }
0x95: {  	s2 =	sld [smem:$0x3FFD];
	_ =	sdelay $0x3  }
0x96: {  	_ =	strace s2  }
0x97: {  	_ =	strace $0x8FFFFFFF  }
0x98: {  	s18 =	sld [smem:$0x3FDB];
	_ =	sdelay $0x1  }
0x99: {  	s19 =	simm.s32 $_scs_section_size  }
0x9a: {  	s4 =	simm.s32 $_size__tile_overlayer_lowered;
	s5 =	simm.s32 $_tile_overlayer_lowered  }
0x9b: {  	s22 =	simm.s32 $0x1BFF;
	s21 =	sshll.u32 s5, $0x1;
	s2 =	sadd.s32 s19, s18  }
0x9c: {  	s6 =	simm.s32 $0x0;
	s20 =	sshll.u32 s4, $0x1;
	s4 =	sadd.s32 s21, s2  }
0x9d: {  	[timem:s6], [sflag:s22] =	dma.local [hbm:s4], s20  }
0x9e: {  	_ =	swait.ge [sflag:s22], s20  }
0x9f: {  	s3 =	ssub.s32 $0x0, s20;
	[sflag:s22] =	ssyncset.done $0x0  }
0xa0: {  	[sflag:s22] =	ssyncadd.s32 s3;
	_ =	sdelay $0x1  }
0xa1: {  	s23 =	simm.s32 $0x1B8B  }
0xa2: {  	_ =	swait.ge [sflag:s23], $0x1  }
0xa3: {  	[sflag:s23] =	ssyncset.done $0x0  }
0xa4: {  	s25 =	simm.s32 $0x1B8E;
	s24 =	sld [smem:$0x3FFE];
	[sflag:s23] =	ssyncadd.s32 $0xFFFFFFFF  }
0xa5: {  	s26 =	simm.s32 $execute0_lowered;
	[smem:$0x3FD2] =	sst s25  }
0xa6: {  	s4 =	sshll.u32 s26, $0x1;
	_ =	strace $0x80000046;
	[dreg:$0x1] =	wrdreg $0xFFFFFFFF  }
0xa7: {  	s28 =	simm.s32 $_size_execute0_lowered;
	s2 =	sadd.s32 s2, s4;
	[dreg:$0x0] =	wrdreg $0x0  }
0xa8: {  	s4 =	sshll.u32 s28, $0x1;
	[dreg:$0x2] =	wrdreg s2  }
0xa9: {  	[dreg:$0x3] =	wrdreg s4  }
0xaa: {  	[dreg:$0x4] =	wrdreg $0xC0  }
0xab: {  	_ =	task [dreg:s6], $0x5FFFF  }
0xac: {  	[dreg:$0x1] =	wrdreg $0xFFFFFFFF  }
0xad: {  	[dreg:$0x0] =	wrdreg $0x60  }
0xae: {  	[dreg:$0x2] =	wrdreg s24  }
0xaf: {  	[dreg:$0x3] =	wrdreg $0x81000  }
0xb0: {  	[dreg:$0x4] =	wrdreg $0x9  }
0xb1: {  	_ =	task.clear_ibuf [dreg:s6], $0x5FFFF;
	_ =	strace $0x90000046  }
0xb2: {  	s29 =	simm.s32 $0x9;
	_ =	strace $0x80000048  }
0xb3: {  	_ =	swait.ge [sflag:s29], $0x1  }
0xb4: {  	[sflag:s29] =	ssyncadd.s32 $0xFFFFFFFF  }
0xb5: {  	_ =	strace $0x90000048  }
0xb6: {  	_ =	sfence  }
0xb7: {  	s30 =	sld [smem:$0x0];
	_ =	sdelay $0x2  }
0xb8: {  	s31 =	sshll.u32 s1, $0xD;
	s1 =	sshrl.u32 s1, $0x2  }
0xb9: {  	s3 =	sand.u32 $0x4000, s31;
	s1 =	sadd.s32 s1, s30  }
0xba: {  	s0 =	sor.u32 s3, s0;
	s1 =	sshll.u32 s1, $0x11  }
0xbb: {  	s0 =	sor.u32 s1, s0  }
0xbc: {  	s0 =	sadd.s32 $0x8F2B, s0  }
0xbd: {  	[sflag:s0] =	ssyncadd.remote.s32 $0x1  }
0xbe: {  	_ =	sfence.sel $0xFFFF  }
0xbf: {  	[dreg:$0x0] =	wrdreg $0xFFFFFFFF;
	(pc) =	sbr.abs _section_cstart, $3  }
0xc0: {  	[dreg:$0x1] =	wrdreg $0xFFFFFFFF  }
0xc1: {  	_ =	task.clear_ibuf [dreg:s6], $0x2FFFF;
	_ =	strace $0x9FFFFFFF  }
0xc2: {  	(tm) =	ssettm $0x7FFFFFFF  }
0xc3: {  	_ =	shalt  }
tec
execute0_lowered:
.L_overlay_start_1:
0x0: {  	(tag) =	ssettag $0x1  }
0x1: {  	s8 =	rddreg [dreg:$0x0]  }
0x2: {  	s2 =	rddreg [dreg:$0x1]  }
0x3: {  	s0 =	rddreg [dreg:$0x2];
	s3 =	simm.s32 $0x0;
	s1 =	stileid.u32  }
0x4: {  	s4 =	srdreg.scid;
	s16 =	simm.s32 $0x100;
	s17 =	simm.s32 $0x1  }
0x5: {  	s18 =	simm.s32 $0x4100;
	s23 =	simm.s32 $0x0;
	[smem:$0x7FF] =	sst s3  }
0x6: {  	s9 =	smul.u32 $0x13C00, s1;
	s10 =	sand.u32 $0x1, s4;
	s5 =	sadd.s32 $0xA0F400, s8  }
0x7: {  	s4 =	sadd.s32 $0x16400, s8;
	s6 =	sadd.s32 $0xBE00, s8;
	s7 =	sadd.s32 $0x515600, s8  }
0x8: {  	s13 =	smul.u32 $0x4F000, s1;
	s31 =	sshll.u32 s1, $0x6;
	_ =	strace $0x80000047  }
0x9: {  	s11 =	smul.u32 $0x13C000, s10;
	s28 =	ssub.s32 $0x2, s10;
	s30 =	sshll.u32 s10, $0x4  }
0xa: {  	s12 =	sshrl.u32 s9, $0x3;
	s14 =	sshrl.u32 s28, $0x1;
	s29 =	sshrl.u32 s13, $0x2  }
0xb: {  	s10 =	sor.u32 s1, s30;
	s9 =	sadd.s32 s9, s11;
	s12 =	sadd.s32 s12, s8  }
0xc: {  	s14 =	ssub.s32 s28, s14;
	s13 =	sadd.s32 s29, s2;
	s9 =	sshrl.u32 s9, $0x3  }
0xd: {  	s10 =	smul.u32 $0x4F, s10;
	s13 =	sshrl.u32 s13, $0x3;
	s15 =	sadd.s32 s9, s8  }
0xe: {  	s8 =	sadd.s32 $0x3DE00, s12;
	s9 =	sor.u32 $0x1C02, s31;
	s12 =	smax.u32 s14, $0x1  }
0xf: {  	s14 =	simm.s32 $0x2;
	s11 =	sadd.s32 $0x65600, s15;
	s15 =	simm.s32 $0x80  }
.LBB2_1:
0x10: {  	[spmem:s13], [sflag:s9] =	dma.local [hbm:s8], $0x2780  }
0x11: {  	_ =	swait.ge [sflag:s14], $0x2780  }
0x12: {  	[sflag:s14] =	ssyncset.done $0x0  }
0x13: {  	[sflag:s14] =	ssyncadd.s32 $0xFFFFD880  }
0x14: {  	s19 =	simm.s32 $0x0;
	[bflag:$0x0] =	sbarrier.arrive $0xFFFF  }
.LBB2_2:
0x15: {  	s20 =	sadd.s32 s10, s19  }
0x16: {  	s21 =	sshll.u32 s20, $0x4  }
0x17: {  	s22 =	sadd.s32 s6, s21  }
0x18: {  	[tilespmem:s23], [sflag:$0x2] =	stream.linear.gather [hbm4b:s22+s23], $0x80, $0x38;
	[tilespmem:$0x1BD00] =	vst v63  }
0x19: {  	_ =	swait.ge [sflag:s14], $0x80  }
0x1a: {  	[sflag:s14] =	ssyncset.done $0x0  }
0x1b: {  	s21 =	sadd.s32 s7, s21;
	[sflag:s14] =	ssyncadd.s32 $0xFFFFFF80  }
0x1c: {  	[tilespmem:s15], [sflag:$0x2] =	stream.linear.gather [hbm4b:s21+s23], $0x80, $0x38;
	[tilespmem:$0x1BD00] =	vst v63  }
0x1d: {  	_ =	swait.ge [sflag:s14], $0x80  }
0x1e: {  	[sflag:s14] =	ssyncset.done $0x0  }
0x1f: {  	[sflag:s14] =	ssyncadd.s32 $0xFFFFFF80  }
0x20: {  	[tilespmem:s16], [sflag:$0x1] =	stream.indirect.gather [hbm4b:s4+s15], $0x80, s23, s15, $0xb8;
	[tilespmem:$0x1BD00] =	vst v63  }
0x21: {  	_ =	swait.ge [sflag:s17], $0x4000  }
0x22: {  	s20 =	sshll.u32 s20, $0xB;
	[sflag:s17] =	ssyncset.done $0x0  }
0x23: {  	s20 =	sadd.s32 s5, s20;
	[sflag:s17] =	ssyncadd.s32 $0xFFFFC000  }
0x24: {  	[tilespmem:s18], [sflag:$0x2] =	stream.linear.gather [hbm4b:s20+s23], $0x4000, $0x38;
	[tilespmem:$0x1BD00] =	vst v63  }
0x25: {  	_ =	swait.ge [sflag:s14], $0x4000  }
0x26: {  	[sflag:s14] =	ssyncset.done $0x0  }
0x27: {  	s20 =	simm.s32 $0x0;
	[sflag:s14] =	ssyncadd.s32 $0xFFFFC000  }
0x28: {  	v6 =	vld [tilespmem:s20+$0x4100]  }
0x29: {  	v11 =	vld [tilespmem:s20+$0x4110]  }
0x2a: {  	v5 =	vld [tilespmem:s20+$0x4120]  }
0x2b: {  	v4 =	vld [tilespmem:s20+$0x4130]  }
0x2c: {  	v3 =	vld [tilespmem:s20+$0x4140]  }
0x2d: {  	v2 =	vld [tilespmem:s20+$0x4150]  }
0x2e: {  	v1 =	vld [tilespmem:s20+$0x4160]  }
0x2f: {  	v0 =	vld [tilespmem:s20+$0x4170]  }
0x30: {  	v12 =	vld [tilespmem:s20+$0x100]  }
0x31: {  	v13 =	vld [tilespmem:s20+$0x110]  }
0x32: {  	v10 =	vld [tilespmem:s20+$0x120]  }
0x33: {  	v9 =	vld [tilespmem:s20+$0x130]  }
0x34: {  	v8 =	vld [tilespmem:s20+$0x140]  }
0x35: {  	v7 =	vld [tilespmem:s20+$0x150];
	v12 =	vadd.f32 v6, v12  }
0x36: {  	s21 =	simm.s32 $0x200;
	v11 =	vadd.f32 v11, v13;
	v6 =	vld [tilespmem:s20+$0x160]  }
.LBB2_3:
0x37: {  	s22 =	sshra.s32 s21, $0x2;
	p0 =	sne.s32 s21, $0xFE00;
	v12 =	vmax.f32 v12, $0.0e+00;
	v5 =	vadd.f32 v5, v10;
	v10 =	vld [tilespmem:s20+$0x170]  }
0x38: {  	v13 =	vld [tilespmem:s22+$0x4100];
	[tilespmem:s20+$0x100] =	vst v12;
	v11 =	vmax.f32 v11, $0.0e+00;
	v4 =	vadd.f32 v4, v9  }
0x39: {  	v14 =	vld [tilespmem:s22+$0x4110];
	[tilespmem:s20+$0x110] =	vst v11;
	v9 =	vmax.f32 v5, $0.0e+00;
	v3 =	vadd.f32 v3, v8  }
0x3a: {  	v5 =	vld [tilespmem:s22+$0x4120];
	[tilespmem:s20+$0x120] =	vst v9;
	v8 =	vmax.f32 v4, $0.0e+00;
	v2 =	vadd.f32 v2, v7  }
0x3b: {  	v4 =	vld [tilespmem:s22+$0x4130];
	[tilespmem:s20+$0x130] =	vst v8;
	v7 =	vmax.f32 v3, $0.0e+00;
	v1 =	vadd.f32 v1, v6  }
0x3c: {  	v3 =	vld [tilespmem:s22+$0x4140];
	[tilespmem:s20+$0x140] =	vst v7;
	v6 =	vmax.f32 v2, $0.0e+00;
	v0 =	vadd.f32 v0, v10  }
0x3d: {  	v2 =	vld [tilespmem:s22+$0x4150];
	[tilespmem:s20+$0x150] =	vst v6;
	v6 =	vmax.f32 v1, $0.0e+00  }
0x3e: {  	v1 =	vld [tilespmem:s22+$0x4160];
	[tilespmem:s20+$0x160] =	vst v6;
	v6 =	vmax.f32 v0, $0.0e+00  }
0x3f: {  	v0 =	vld [tilespmem:s22+$0x4170];
	[tilespmem:s20+$0x170] =	vst v6;
	s20 =	smov.u32 s22  }
0x40: {  	v6 =	vld [tilespmem:s20+$0x100]  }
0x41: {  	v11 =	vld [tilespmem:s20+$0x110]  }
.Ltmp0:
0x42: {  	v10 =	vld [tilespmem:s20+$0x120];
	(pc) =	sbr.rel @p0 .LBB2_3-.Ltmp0, $4  }
0x43: {  	v9 =	vld [tilespmem:s20+$0x130]  }
0x44: {  	v8 =	vld [tilespmem:s20+$0x140]  }
0x45: {  	v12 =	vadd.f32 v13, v6;
	v7 =	vld [tilespmem:s20+$0x150]  }
0x46: {  	s21 =	sadd.s32 $0x200, s21;
	v11 =	vadd.f32 v14, v11;
	v6 =	vld [tilespmem:s20+$0x160]  }
0x47: {  	v12 =	vmax.f32 v12, $0.0e+00;
	v5 =	vadd.f32 v5, v10;
	v63 =	vld [tilespmem:s20+$0x170]  }
0x48: {  	[tilespmem:s20+$0x100] =	vst v12;
	v11 =	vmax.f32 v11, $0.0e+00;
	v4 =	vadd.f32 v4, v9  }
0x49: {  	[tilespmem:s20+$0x110] =	vst v11;
	v5 =	vmax.f32 v5, $0.0e+00;
	v3 =	vadd.f32 v3, v8  }
0x4a: {  	[tilespmem:s20+$0x120] =	vst v5;
	v4 =	vmax.f32 v4, $0.0e+00;
	v2 =	vadd.f32 v2, v7  }
0x4b: {  	[tilespmem:s20+$0x130] =	vst v4;
	v3 =	vmax.f32 v3, $0.0e+00;
	v1 =	vadd.f32 v1, v6  }
0x4c: {  	[tilespmem:s20+$0x140] =	vst v3;
	v2 =	vmax.f32 v2, $0.0e+00;
	v0 =	vadd.f32 v0, v63  }
0x4d: {  	s19 =	sadd.s32 $0x1, s19;
	[tilespmem:s20+$0x150] =	vst v2;
	v1 =	vmax.f32 v1, $0.0e+00  }
0x4e: {  	p0 =	sne.s32 s19, $0x4F;
	[tilespmem:s20+$0x160] =	vst v1;
	v0 =	vmax.f32 v0, $0.0e+00  }
.Ltmp1:
0x4f: {  	[tilespmem:s20+$0x170] =	vst v0;
	(pc) =	sbr.rel @p0 .LBB2_2-.Ltmp1, $4  }
0x50: {  	[spmem:s2] =	stream.indirect.scatter.add.f32 [tilespmem:s16], [sflag:$0x2], $0x80, s15, s15, $0xb8;
	[tilespmem:$0x1BD00] =	vst v63  }
0x51: {  	_ =	swait.ge [sflag:s14], $0x4000  }
0x52: {  	[sflag:s14] =	ssyncset.done $0x0  }
0x53: {  	[sflag:s14] =	ssyncadd.s32 $0xFFFFC000  }
0x54: {  	s3 =	sadd.s32 $0x1, s3  }
0x55: {  	p0 =	sne.s32 s3, s12  }
.Ltmp2:
0x56: {  	[bflag:$0x0] =	sbarrier.arrive $0xFFFF;
	(pc) =	sbr.rel @p0 .LBB2_1-.Ltmp2, $4  }
0x57: {  	[hbm:s11], [sflag:s9] =	dma.local [spmem:s13], $0x2780  }
0x58: {  	_ =	swait.ge [sflag:s14], $0x2780  }
0x59: {  	[sflag:s14] =	ssyncset.done $0x0  }
0x5a: {  	[sflag:s14] =	ssyncadd.s32 $0xFFFFD880  }
0x5b: {  	_ =	sfence.sel $0x180000  }
0x5c: {  	[bflag:$0x0] =	sbarrier.arrive $0xFFFF  }
0x5d: {  	p0 =	sne.s32 s1, $0x0;
	_ =	strace $0x90000047  }
0x5e: {  	s0 =	sadd.s32 @!p0 $0x100000, s0;
	[bflag:$0x2] =	sbarrier.arrive $0xFFFF  }
0x5f: {  	[sflag:s0] =	ssyncadd.tile.s32 @!p0 $0x1;
	_ =	shalt  }
.Lfunc_end2:
_tile_overlayer_lowered:
.L_overlay_start_2:
0x60: {  	(tag) =	ssettag $0x2  }
0x61: {  	s0 =	rddreg [dreg:$0x0];
	s2 =	stileid.u32  }
0x62: {  	s1 =	rddreg [dreg:$0x1];
	p0 =	sne.s32 s2, $0x0  }
0x63: {  	s3 =	rddreg [dreg:$0x2];
	[bflag:$0x3] =	sbarrier.arrive $0xFFFF;
	s2 =	simm.s32 @!p0 $0x1C02  }
0x64: {  	[timem:s3], [sflag:s2] =	dma.local @!p0 [hbm:s0], s1  }
0x65: {  	s0 =	simm.s32 @!p0 $0x2  }
0x66: {  	_ =	swait.ge @!p0 [sflag:s0], s1  }
0x67: {  	s1 =	ssub.s32 @!p0 $0x0, s1;
	[sflag:s0] =	ssyncset.done @!p0 $0x0  }
0x68: {  	[sflag:s0] =	ssyncadd.s32 @!p0 s1  }
0x69: {  	[bflag:$0x3] =	sbarrier.arrive $0xFFFF  }
0x6a: {  	_ =	shalt  }

// kernel: kernel.20.cloned.1.call-start
scs
__scs_entry_jumppad:
0x0: {  	(pc) =	sbr.rel $0x88, $3  }
0x1: {  	(tag) =	ssettag $0x0;
	lr =	simm.s32 $0x1  }
0x2: {  	[smem:$0x3F87] =	sst lr;
	_ =	strace $0xD0000000  }
0x3: {  	_ = 	snop  }
0x4: {  	_ = 	snop  }
0x5: {  	_ = 	snop  }
0x6: {  	_ = 	snop  }
0x7: {  	_ = 	snop  }
__scs_overlays_trampoline_lowered:
0x8: {  	[smem:$0x3F96] =	sst s0  }
0x9: {  	[smem:$0x3F97] =	sst s1  }
0xa: {  	[smem:$0x3F98] =	sst s2  }
0xb: {  	[smem:$0x3F99] =	sst s3  }
0xc: {  	[smem:$0x3F9A] =	sst s4  }
0xd: {  	[smem:$0x3F9B] =	sst s5  }
0xe: {  	[smem:$0x3F9C] =	sst s6  }
0xf: {  	[smem:$0x3F9D] =	sst s7  }
0x10: {  	[smem:$0x3F9E] =	sst s8  }
0x11: {  	[smem:$0x3F9F] =	sst s9;
	s0 =	simm.s32 @!p0 $0x0  }
0x12: {  	s1 =	sld [smem:$0x3F85];
	s0 =	simm.s32 @p0 $0x1  }
0x13: {  	[smem:$0x3FA0] =	sst s0;
	s0 =	simm.s32 @!p1 $0x0  }
0x14: {  	s2 =	sld [smem:$0x3F84];
	s0 =	simm.s32 @p1 $0x1  }
0x15: {  	[smem:$0x3FA1] =	sst s0;
	s0 =	simm.s32 @!p2 $0x0  }
0x16: {  	s3 =	sld [smem:$0x3FDB];
	s0 =	simm.s32 @p2 $0x1  }
0x17: {  	s4 =	simm.s32 $0x1BF5;
	[smem:$0x3FA3] =	sst s0  }
0x18: {  	s0 =	sld [smem:$0x3F86];
	_ =	swait.ge [sflag:s4], $0x0  }
0x19: {  	s7 =	sld [smem:$0x3F87]  }
0x1a: {  	s8 =	sadd.s32 $0xFFFFE003, lr  }
0x1b: {  	s9 =	sadd.s32 $0xFFFFFEF7, lr;
	s5 =	simm.s32 $0xFFFFFFFF;
	p2 =	slt.u32 s8, $0xFFFFF086  }
0x1c: {  	p1 =	slt.u32 s9, $0xF7A;
	s5 =	simm.s32 @!p2 $0x0  }
0x1d: {  	s5 =	simm.s32 @p1 $0x1;
	p0 =	seq.s32 s7, s2  }
0x1e: {  	s7 =	smul.u32 @!p0 $0xF7A, s2;
	p2 =	seq.s32 @!p0 s5, $0x0  }
0x1f: {  	s9 =	smul.u32 $0xF7A, s1;
	s8 =	simm.s32 @!p0 $0x1BF5;
	p2 =	por !p2, p0  }
0x20: {  	[sflag:s8] =	ssyncset.s32 @!p0 $0xFFFFF086;
	s6 =	sadd.s32 @!p0 s3, s7;
	s7 =	simm.s32 @!p0 $0x108  }
0x21: {  	s3 =	sadd.s32 s3, s9;
	s6 =	sadd.s32 @!p0 $0x88, s6;
	s7 =	simm.s32 @p2 $0x1082  }
0x22: {  	[simem:s7], [sflag:s8] =	dma.local @!p0 [hbm:s6], $0xF7A  }
0x23: {  	s9 =	sor.u32 $0xD0000000, s2;
	s6 =	simm.s32 $0x108;
	_ =	swait.ge @!p0 [sflag:s8], $0x0  }
0x24: {  	s3 =	sadd.s32 $0x88, s3;
	s6 =	simm.s32 @!p1 $0x1082;
	[sflag:s4] =	ssyncset.s32 $0xFFFFF086  }
0x25: {  	[simem:s6], [sflag:s4] =	dma.local [hbm:s3], $0xF7A  }
0x26: {  	[smem:$0x3F87] =	sst s1;
	(tag) =	ssettag s2;
	_ =	strace s9  }
0x27: {  	s1 =	sld [smem:$0x3F97]  }
0x28: {  	s2 =	sld [smem:$0x3F98]  }
0x29: {  	s4 =	sld [smem:$0x3F9A]  }
0x2a: {  	p0 =	seq.s32 s5, $0x0;
	s5 =	sld [smem:$0x3F9B]  }
0x2b: {  	s6 =	sld [smem:$0x3F9C]  }
0x2c: {  	s7 =	sld [smem:$0x3F9D]  }
0x2d: {  	s3 =	simm.s32 $0x108;
	s8 =	sld [smem:$0x3F9E]  }
0x2e: {  	s3 =	simm.s32 @!p0 $0x1082;
	s9 =	sld [smem:$0x3F9F]  }
0x2f: {  	lr =	sadd.s32 s0, s3;
	s0 =	sld [smem:$0x3F96]  }
0x30: {  	s3 =	sld [smem:$0x3F99]  }
0x31: {  	[smem:$0x3FA2] =	sst s10  }
0x32: {  	s10 =	sld [smem:$0x3FA0];
	_ =	sdelay $0x3  }
0x33: {  	p0 =	seq.s32 s10, $0x1;
	s10 =	sld [smem:$0x3FA2];
	_ =	sdelay $0x3  }
0x34: {  	[smem:$0x3FA2] =	sst s10  }
0x35: {  	s10 =	sld [smem:$0x3FA1];
	_ =	sdelay $0x3  }
0x36: {  	p1 =	seq.s32 s10, $0x1;
	s10 =	sld [smem:$0x3FA2];
	_ =	sdelay $0x3  }
0x37: {  	[smem:$0x3FA2] =	sst s10  }
0x38: {  	s10 =	sld [smem:$0x3FA3]  }
0x39: {  	_ = 	snop;
	(pc) =	sbr.ind lr, $3  }
0x3a: {  	_ = 	snop  }
0x3b: {  	_ = 	snop  }
0x3c: {  	p2 =	seq.s32 s10, $0x1;
	s10 =	sld [smem:$0x3FA2]  }
0x3d: {  	_ =	shalt  }
0x3e: {  	_ =	shalt  }
0x3f: {  	_ =	shalt  }
0x40: {  	_ =	shalt  }
0x41: {  	_ =	shalt  }
0x42: {  	_ =	shalt  }
0x43: {  	_ =	shalt  }
0x44: {  	_ =	shalt  }
0x45: {  	_ =	shalt  }
0x46: {  	_ =	shalt  }
0x47: {  	_ =	shalt  }
0x48: {  	_ =	shalt  }
0x49: {  	_ =	shalt  }
0x4a: {  	_ =	shalt  }
0x4b: {  	_ =	shalt  }
0x4c: {  	_ =	shalt  }
0x4d: {  	_ =	shalt  }
0x4e: {  	_ =	shalt  }
0x4f: {  	_ =	shalt  }
0x50: {  	_ =	shalt  }
0x51: {  	_ =	shalt  }
0x52: {  	_ =	shalt  }
0x53: {  	_ =	shalt  }
0x54: {  	_ =	shalt  }
0x55: {  	_ =	shalt  }
0x56: {  	_ =	shalt  }
0x57: {  	_ =	shalt  }
0x58: {  	_ =	shalt  }
0x59: {  	_ =	shalt  }
0x5a: {  	_ =	shalt  }
0x5b: {  	_ =	shalt  }
0x5c: {  	_ =	shalt  }
0x5d: {  	_ =	shalt  }
0x5e: {  	_ =	shalt  }
0x5f: {  	_ =	shalt  }
0x60: {  	_ =	shalt  }
0x61: {  	_ =	shalt  }
0x62: {  	_ =	shalt  }
0x63: {  	_ =	shalt  }
0x64: {  	_ =	shalt  }
0x65: {  	_ =	shalt  }
0x66: {  	_ =	shalt  }
0x67: {  	_ =	shalt  }
0x68: {  	_ =	shalt  }
0x69: {  	_ =	shalt  }
0x6a: {  	_ =	shalt  }
0x6b: {  	_ =	shalt  }
0x6c: {  	_ =	shalt  }
0x6d: {  	_ =	shalt  }
0x6e: {  	_ =	shalt  }
0x6f: {  	_ =	shalt  }
0x70: {  	_ =	shalt  }
0x71: {  	_ =	shalt  }
0x72: {  	_ =	shalt  }
0x73: {  	_ =	shalt  }
0x74: {  	_ =	shalt  }
0x75: {  	_ =	shalt  }
0x76: {  	_ =	shalt  }
0x77: {  	_ =	shalt  }
0x78: {  	_ =	shalt  }
0x79: {  	_ =	shalt  }
0x7a: {  	_ =	shalt  }
0x7b: {  	_ =	shalt  }
0x7c: {  	_ =	shalt  }
0x7d: {  	_ =	shalt  }
0x7e: {  	_ =	shalt  }
0x7f: {  	_ =	shalt  }
0x80: {  	_ =	shalt  }
0x81: {  	_ =	shalt  }
0x82: {  	_ =	shalt  }
0x83: {  	_ =	shalt  }
0x84: {  	_ =	shalt  }
0x85: {  	_ =	shalt  }
0x86: {  	_ =	shalt  }
0x87: {  	_ =	shalt  }
.Lfunc_end0:
.L_simem_size_0:
called_computation.1_lowered:
.L_overlay_start_0:
0x88: {  	s2 =	sld [smem:$0x3FD9]  }
0x89: {  	s3 =	sld [smem:$0x3FFE];
	_ =	sdelay $0x1  }
0x8a: {  	s1 =	srdreg.scid  }
0x8b: {  	s0 =	sand.u32 $0x1, s1  }
0x8c: {  	s16 =	sshll.u32 s0, $0xA;
	s2 =	sadd.s32 s3, s2  }
0x8d: {  	s2 =	sadd.s32 s2, s16  }
0x8e: {  	[smem:$0x3FAE] =	sst s2  }
0x8f: {  	_ = 	snop  }
0x90: {  	(tm) =	ssettm $0x1  }
0x91: {  	s17 =	sld [smem:$0x3FFB];
	_ =	sdelay $0x3  }
0x92: {  	_ =	strace s17  }
0x93: {  	s2 =	sld [smem:$0x3FFC];
	_ =	sdelay $0x3  }
0x94: {  	_ =	strace s2  }
0x95: {  	s2 =	sld [smem:$0x3FFD];
	_ =	sdelay $0x3  }
0x96: {  	_ =	strace s2  }
0x97: {  	_ =	strace $0x8FFFFFFF  }
0x98: {  	s18 =	sld [smem:$0x3FDB];
	_ =	sdelay $0x1  }
0x99: {  	s19 =	simm.s32 $_scs_section_size  }
0x9a: {  	s4 =	simm.s32 $_size__tile_overlayer_lowered;
	s5 =	simm.s32 $_tile_overlayer_lowered  }
0x9b: {  	s22 =	simm.s32 $0x1BFF;
	s21 =	sshll.u32 s5, $0x1;
	s2 =	sadd.s32 s19, s18  }
0x9c: {  	s6 =	simm.s32 $0x0;
	s20 =	sshll.u32 s4, $0x1;
	s4 =	sadd.s32 s21, s2  }
0x9d: {  	[timem:s6], [sflag:s22] =	dma.local [hbm:s4], s20  }
0x9e: {  	_ =	swait.ge [sflag:s22], s20  }
0x9f: {  	s3 =	ssub.s32 $0x0, s20;
	[sflag:s22] =	ssyncset.done $0x0  }
0xa0: {  	[sflag:s22] =	ssyncadd.s32 s3;
	_ =	sdelay $0x1  }
0xa1: {  	s23 =	simm.s32 $0x1B8B  }
0xa2: {  	_ =	swait.ge [sflag:s23], $0x1  }
0xa3: {  	[sflag:s23] =	ssyncset.done $0x0  }
0xa4: {  	s25 =	simm.s32 $0x1B8E;
	s24 =	sld [smem:$0x3FFE];
	[sflag:s23] =	ssyncadd.s32 $0xFFFFFFFF  }
0xa5: {  	s26 =	simm.s32 $execute0_lowered;
	[smem:$0x3FD2] =	sst s25  }
0xa6: {  	s4 =	sshll.u32 s26, $0x1;
	_ =	strace $0x80000049;
	[dreg:$0x1] =	wrdreg $0xFFFFFFFF  }
0xa7: {  	s28 =	simm.s32 $_size_execute0_lowered;
	s2 =	sadd.s32 s2, s4;
	[dreg:$0x0] =	wrdreg $0x0  }
0xa8: {  	s4 =	sshll.u32 s28, $0x1;
	[dreg:$0x2] =	wrdreg s2  }
0xa9: {  	[dreg:$0x3] =	wrdreg s4  }
0xaa: {  	[dreg:$0x4] =	wrdreg $0xC0  }
0xab: {  	_ =	task [dreg:s6], $0x5FFFF  }
0xac: {  	[dreg:$0x1] =	wrdreg $0xFFFFFFFF  }
0xad: {  	[dreg:$0x0] =	wrdreg $0x60  }
0xae: {  	[dreg:$0x2] =	wrdreg s24  }
0xaf: {  	[dreg:$0x3] =	wrdreg $0x81000  }
0xb0: {  	[dreg:$0x4] =	wrdreg $0x9  }
0xb1: {  	_ =	task.clear_ibuf [dreg:s6], $0x5FFFF;
	_ =	strace $0x90000049  }
0xb2: {  	s29 =	simm.s32 $0x9;
	_ =	strace $0x8000004B  }
0xb3: {  	_ =	swait.ge [sflag:s29], $0x1  }
0xb4: {  	[sflag:s29] =	ssyncadd.s32 $0xFFFFFFFF  }
0xb5: {  	_ =	strace $0x9000004B  }
0xb6: {  	_ =	sfence  }
0xb7: {  	s30 =	sld [smem:$0x0];
	_ =	sdelay $0x2  }
0xb8: {  	s31 =	sshll.u32 s1, $0xD;
	s1 =	sshrl.u32 s1, $0x2  }
0xb9: {  	s3 =	sand.u32 $0x4000, s31;
	s1 =	sadd.s32 s1, s30  }
0xba: {  	s0 =	sor.u32 s3, s0;
	s1 =	sshll.u32 s1, $0x11  }
0xbb: {  	s0 =	sor.u32 s1, s0  }
0xbc: {  	s0 =	sadd.s32 $0x8F2B, s0  }
0xbd: {  	[sflag:s0] =	ssyncadd.remote.s32 $0x1  }
0xbe: {  	_ =	sfence.sel $0xFFFF  }
0xbf: {  	[dreg:$0x0] =	wrdreg $0xFFFFFFFF;
	(pc) =	sbr.abs _section_cstart, $3  }
0xc0: {  	[dreg:$0x1] =	wrdreg $0xFFFFFFFF  }
0xc1: {  	_ =	task.clear_ibuf [dreg:s6], $0x2FFFF;
	_ =	strace $0x9FFFFFFF  }
0xc2: {  	(tm) =	ssettm $0x7FFFFFFF  }
0xc3: {  	_ =	shalt  }
tec
execute0_lowered:
.L_overlay_start_1:
0x0: {  	(tag) =	ssettag $0x1  }
0x1: {  	s8 =	rddreg [dreg:$0x0]  }
0x2: {  	s2 =	rddreg [dreg:$0x1]  }
0x3: {  	s0 =	rddreg [dreg:$0x2];
	s3 =	simm.s32 $0x0;
	s1 =	stileid.u32  }
0x4: {  	s4 =	srdreg.scid;
	s16 =	simm.s32 $0x100;
	s17 =	simm.s32 $0x1  }
0x5: {  	s18 =	simm.s32 $0x4100;
	s23 =	simm.s32 $0x0;
	[smem:$0x7FF] =	sst s3  }
0x6: {  	s9 =	smul.u32 $0x13C00, s1;
	s10 =	sand.u32 $0x1, s4;
	s5 =	sadd.s32 $0xEFF400, s8  }
0x7: {  	s4 =	sadd.s32 $0x16400, s8;
	s6 =	sadd.s32 $0xBE00, s8;
	s7 =	sadd.s32 $0x515600, s8  }
0x8: {  	s13 =	smul.u32 $0x4F000, s1;
	s31 =	sshll.u32 s1, $0x6;
	_ =	strace $0x8000004A  }
0x9: {  	s11 =	smul.u32 $0x13C000, s10;
	s28 =	ssub.s32 $0x2, s10;
	s30 =	sshll.u32 s10, $0x4  }
0xa: {  	s12 =	sshrl.u32 s9, $0x3;
	s14 =	sshrl.u32 s28, $0x1;
	s29 =	sshrl.u32 s13, $0x2  }
0xb: {  	s10 =	sor.u32 s1, s30;
	s9 =	sadd.s32 s9, s11;
	s12 =	sadd.s32 s12, s8  }
0xc: {  	s14 =	ssub.s32 s28, s14;
	s13 =	sadd.s32 s29, s2;
	s9 =	sshrl.u32 s9, $0x3  }
0xd: {  	s10 =	smul.u32 $0x4F, s10;
	s13 =	sshrl.u32 s13, $0x3;
	s15 =	sadd.s32 s9, s8  }
0xe: {  	s8 =	sadd.s32 $0x3DE00, s12;
	s9 =	sor.u32 $0x1C02, s31;
	s12 =	smax.u32 s14, $0x1  }
0xf: {  	s14 =	simm.s32 $0x2;
	s11 =	sadd.s32 $0xBB200, s15;
	s15 =	simm.s32 $0x80  }
.LBB2_1:
0x10: {  	[spmem:s13], [sflag:s9] =	dma.local [hbm:s8], $0x2780  }
0x11: {  	_ =	swait.ge [sflag:s14], $0x2780  }
0x12: {  	[sflag:s14] =	ssyncset.done $0x0  }
0x13: {  	[sflag:s14] =	ssyncadd.s32 $0xFFFFD880  }
0x14: {  	s19 =	simm.s32 $0x0;
	[bflag:$0x0] =	sbarrier.arrive $0xFFFF  }
.LBB2_2:
0x15: {  	s20 =	sadd.s32 s10, s19  }
0x16: {  	s21 =	sshll.u32 s20, $0x4  }
0x17: {  	s22 =	sadd.s32 s6, s21  }
0x18: {  	[tilespmem:s23], [sflag:$0x2] =	stream.linear.gather [hbm4b:s22+s23], $0x80, $0x38;
	[tilespmem:$0x1BD00] =	vst v63  }
0x19: {  	_ =	swait.ge [sflag:s14], $0x80  }
0x1a: {  	[sflag:s14] =	ssyncset.done $0x0  }
0x1b: {  	s21 =	sadd.s32 s7, s21;
	[sflag:s14] =	ssyncadd.s32 $0xFFFFFF80  }
0x1c: {  	[tilespmem:s15], [sflag:$0x2] =	stream.linear.gather [hbm4b:s21+s23], $0x80, $0x38;
	[tilespmem:$0x1BD00] =	vst v63  }
0x1d: {  	_ =	swait.ge [sflag:s14], $0x80  }
0x1e: {  	[sflag:s14] =	ssyncset.done $0x0  }
0x1f: {  	[sflag:s14] =	ssyncadd.s32 $0xFFFFFF80  }
0x20: {  	[tilespmem:s16], [sflag:$0x1] =	stream.indirect.gather [hbm4b:s4+s15], $0x80, s23, s15, $0xb8;
	[tilespmem:$0x1BD00] =	vst v63  }
0x21: {  	_ =	swait.ge [sflag:s17], $0x4000  }
0x22: {  	s20 =	sshll.u32 s20, $0xB;
	[sflag:s17] =	ssyncset.done $0x0  }
0x23: {  	s20 =	sadd.s32 s5, s20;
	[sflag:s17] =	ssyncadd.s32 $0xFFFFC000  }
0x24: {  	[tilespmem:s18], [sflag:$0x2] =	stream.linear.gather [hbm4b:s20+s23], $0x4000, $0x38;
	[tilespmem:$0x1BD00] =	vst v63  }
0x25: {  	_ =	swait.ge [sflag:s14], $0x4000  }
0x26: {  	[sflag:s14] =	ssyncset.done $0x0  }
0x27: {  	s20 =	simm.s32 $0x0;
	[sflag:s14] =	ssyncadd.s32 $0xFFFFC000  }
0x28: {  	v6 =	vld [tilespmem:s20+$0x4100]  }
0x29: {  	v11 =	vld [tilespmem:s20+$0x4110]  }
0x2a: {  	v5 =	vld [tilespmem:s20+$0x4120]  }
0x2b: {  	v4 =	vld [tilespmem:s20+$0x4130]  }
0x2c: {  	v3 =	vld [tilespmem:s20+$0x4140]  }
0x2d: {  	v2 =	vld [tilespmem:s20+$0x4150]  }
0x2e: {  	v1 =	vld [tilespmem:s20+$0x4160]  }
0x2f: {  	v0 =	vld [tilespmem:s20+$0x4170]  }
0x30: {  	v12 =	vld [tilespmem:s20+$0x100]  }
0x31: {  	v13 =	vld [tilespmem:s20+$0x110]  }
0x32: {  	v10 =	vld [tilespmem:s20+$0x120]  }
0x33: {  	v9 =	vld [tilespmem:s20+$0x130]  }
0x34: {  	v8 =	vld [tilespmem:s20+$0x140]  }
0x35: {  	v7 =	vld [tilespmem:s20+$0x150];
	v12 =	vadd.f32 v6, v12  }
0x36: {  	s21 =	simm.s32 $0x200;
	v11 =	vadd.f32 v11, v13;
	v6 =	vld [tilespmem:s20+$0x160]  }
.LBB2_3:
0x37: {  	s22 =	sshra.s32 s21, $0x2;
	p0 =	sne.s32 s21, $0xFE00;
	v12 =	vmax.f32 v12, $0.0e+00;
	v5 =	vadd.f32 v5, v10;
	v10 =	vld [tilespmem:s20+$0x170]  }
0x38: {  	v13 =	vld [tilespmem:s22+$0x4100];
	[tilespmem:s20+$0x100] =	vst v12;
	v11 =	vmax.f32 v11, $0.0e+00;
	v4 =	vadd.f32 v4, v9  }
0x39: {  	v14 =	vld [tilespmem:s22+$0x4110];
	[tilespmem:s20+$0x110] =	vst v11;
	v9 =	vmax.f32 v5, $0.0e+00;
	v3 =	vadd.f32 v3, v8  }
0x3a: {  	v5 =	vld [tilespmem:s22+$0x4120];
	[tilespmem:s20+$0x120] =	vst v9;
	v8 =	vmax.f32 v4, $0.0e+00;
	v2 =	vadd.f32 v2, v7  }
0x3b: {  	v4 =	vld [tilespmem:s22+$0x4130];
	[tilespmem:s20+$0x130] =	vst v8;
	v7 =	vmax.f32 v3, $0.0e+00;
	v1 =	vadd.f32 v1, v6  }
0x3c: {  	v3 =	vld [tilespmem:s22+$0x4140];
	[tilespmem:s20+$0x140] =	vst v7;
	v6 =	vmax.f32 v2, $0.0e+00;
	v0 =	vadd.f32 v0, v10  }
0x3d: {  	v2 =	vld [tilespmem:s22+$0x4150];
	[tilespmem:s20+$0x150] =	vst v6;
	v6 =	vmax.f32 v1, $0.0e+00  }
0x3e: {  	v1 =	vld [tilespmem:s22+$0x4160];
	[tilespmem:s20+$0x160] =	vst v6;
	v6 =	vmax.f32 v0, $0.0e+00  }
0x3f: {  	v0 =	vld [tilespmem:s22+$0x4170];
	[tilespmem:s20+$0x170] =	vst v6;
	s20 =	smov.u32 s22  }
0x40: {  	v6 =	vld [tilespmem:s20+$0x100]  }
0x41: {  	v11 =	vld [tilespmem:s20+$0x110]  }
.Ltmp0:
0x42: {  	v10 =	vld [tilespmem:s20+$0x120];
	(pc) =	sbr.rel @p0 .LBB2_3-.Ltmp0, $4  }
0x43: {  	v9 =	vld [tilespmem:s20+$0x130]  }
0x44: {  	v8 =	vld [tilespmem:s20+$0x140]  }
0x45: {  	v12 =	vadd.f32 v13, v6;
	v7 =	vld [tilespmem:s20+$0x150]  }
0x46: {  	s21 =	sadd.s32 $0x200, s21;
	v11 =	vadd.f32 v14, v11;
	v6 =	vld [tilespmem:s20+$0x160]  }
0x47: {  	v12 =	vmax.f32 v12, $0.0e+00;
	v5 =	vadd.f32 v5, v10;
	v63 =	vld [tilespmem:s20+$0x170]  }
0x48: {  	[tilespmem:s20+$0x100] =	vst v12;
	v11 =	vmax.f32 v11, $0.0e+00;
	v4 =	vadd.f32 v4, v9  }
0x49: {  	[tilespmem:s20+$0x110] =	vst v11;
	v5 =	vmax.f32 v5, $0.0e+00;
	v3 =	vadd.f32 v3, v8  }
0x4a: {  	[tilespmem:s20+$0x120] =	vst v5;
	v4 =	vmax.f32 v4, $0.0e+00;
	v2 =	vadd.f32 v2, v7  }
0x4b: {  	[tilespmem:s20+$0x130] =	vst v4;
	v3 =	vmax.f32 v3, $0.0e+00;
	v1 =	vadd.f32 v1, v6  }
0x4c: {  	[tilespmem:s20+$0x140] =	vst v3;
	v2 =	vmax.f32 v2, $0.0e+00;
	v0 =	vadd.f32 v0, v63  }
0x4d: {  	s19 =	sadd.s32 $0x1, s19;
	[tilespmem:s20+$0x150] =	vst v2;
	v1 =	vmax.f32 v1, $0.0e+00  }
0x4e: {  	p0 =	sne.s32 s19, $0x4F;
	[tilespmem:s20+$0x160] =	vst v1;
	v0 =	vmax.f32 v0, $0.0e+00  }
.Ltmp1:
0x4f: {  	[tilespmem:s20+$0x170] =	vst v0;
	(pc) =	sbr.rel @p0 .LBB2_2-.Ltmp1, $4  }
0x50: {  	[spmem:s2] =	stream.indirect.scatter.add.f32 [tilespmem:s16], [sflag:$0x2], $0x80, s15, s15, $0xb8;
	[tilespmem:$0x1BD00] =	vst v63  }
0x51: {  	_ =	swait.ge [sflag:s14], $0x4000  }
0x52: {  	[sflag:s14] =	ssyncset.done $0x0  }
0x53: {  	[sflag:s14] =	ssyncadd.s32 $0xFFFFC000  }
0x54: {  	s3 =	sadd.s32 $0x1, s3  }
0x55: {  	p0 =	sne.s32 s3, s12  }
.Ltmp2:
0x56: {  	[bflag:$0x0] =	sbarrier.arrive $0xFFFF;
	(pc) =	sbr.rel @p0 .LBB2_1-.Ltmp2, $4  }
0x57: {  	[hbm:s11], [sflag:s9] =	dma.local [spmem:s13], $0x2780  }
0x58: {  	_ =	swait.ge [sflag:s14], $0x2780  }
0x59: {  	[sflag:s14] =	ssyncset.done $0x0  }
0x5a: {  	[sflag:s14] =	ssyncadd.s32 $0xFFFFD880  }
0x5b: {  	_ =	sfence.sel $0x180000  }
0x5c: {  	[bflag:$0x0] =	sbarrier.arrive $0xFFFF  }
0x5d: {  	p0 =	sne.s32 s1, $0x0;
	_ =	strace $0x9000004A  }
0x5e: {  	s0 =	sadd.s32 @!p0 $0x100000, s0;
	[bflag:$0x2] =	sbarrier.arrive $0xFFFF  }
0x5f: {  	[sflag:s0] =	ssyncadd.tile.s32 @!p0 $0x1;
	_ =	shalt  }
.Lfunc_end2:
_tile_overlayer_lowered:
.L_overlay_start_2:
0x60: {  	(tag) =	ssettag $0x2  }
0x61: {  	s0 =	rddreg [dreg:$0x0];
	s2 =	stileid.u32  }
0x62: {  	s1 =	rddreg [dreg:$0x1];
	p0 =	sne.s32 s2, $0x0  }
0x63: {  	s3 =	rddreg [dreg:$0x2];
	[bflag:$0x3] =	sbarrier.arrive $0xFFFF;
	s2 =	simm.s32 @!p0 $0x1C02  }
0x64: {  	[timem:s3], [sflag:s2] =	dma.local @!p0 [hbm:s0], s1  }
0x65: {  	s0 =	simm.s32 @!p0 $0x2  }
0x66: {  	_ =	swait.ge @!p0 [sflag:s0], s1  }
0x67: {  	s1 =	ssub.s32 @!p0 $0x0, s1;
	[sflag:s0] =	ssyncset.done @!p0 $0x0  }
0x68: {  	[sflag:s0] =	ssyncadd.s32 @!p0 s1  }
0x69: {  	[bflag:$0x3] =	sbarrier.arrive $0xFFFF  }
0x6a: {  	_ =	shalt  }

// kernel: kernel.23.cloned.1.call-start
scs
__scs_entry_jumppad:
0x0: {  	(pc) =	sbr.rel $0x88, $3  }
0x1: {  	(tag) =	ssettag $0x0;
	lr =	simm.s32 $0x1  }
0x2: {  	[smem:$0x3F87] =	sst lr;
	_ =	strace $0xD0000000  }
0x3: {  	_ = 	snop  }
0x4: {  	_ = 	snop  }
0x5: {  	_ = 	snop  }
0x6: {  	_ = 	snop  }
0x7: {  	_ = 	snop  }
__scs_overlays_trampoline_lowered:
0x8: {  	[smem:$0x3F96] =	sst s0  }
0x9: {  	[smem:$0x3F97] =	sst s1  }
0xa: {  	[smem:$0x3F98] =	sst s2  }
0xb: {  	[smem:$0x3F99] =	sst s3  }
0xc: {  	[smem:$0x3F9A] =	sst s4  }
0xd: {  	[smem:$0x3F9B] =	sst s5  }
0xe: {  	[smem:$0x3F9C] =	sst s6  }
0xf: {  	[smem:$0x3F9D] =	sst s7  }
0x10: {  	[smem:$0x3F9E] =	sst s8  }
0x11: {  	[smem:$0x3F9F] =	sst s9;
	s0 =	simm.s32 @!p0 $0x0  }
0x12: {  	s1 =	sld [smem:$0x3F85];
	s0 =	simm.s32 @p0 $0x1  }
0x13: {  	[smem:$0x3FA0] =	sst s0;
	s0 =	simm.s32 @!p1 $0x0  }
0x14: {  	s2 =	sld [smem:$0x3F84];
	s0 =	simm.s32 @p1 $0x1  }
0x15: {  	[smem:$0x3FA1] =	sst s0;
	s0 =	simm.s32 @!p2 $0x0  }
0x16: {  	s3 =	sld [smem:$0x3FDB];
	s0 =	simm.s32 @p2 $0x1  }
0x17: {  	s4 =	simm.s32 $0x1BF5;
	[smem:$0x3FA3] =	sst s0  }
0x18: {  	s0 =	sld [smem:$0x3F86];
	_ =	swait.ge [sflag:s4], $0x0  }
0x19: {  	s7 =	sld [smem:$0x3F87]  }
0x1a: {  	s8 =	sadd.s32 $0xFFFFE003, lr  }
0x1b: {  	s9 =	sadd.s32 $0xFFFFFEF7, lr;
	s5 =	simm.s32 $0xFFFFFFFF;
	p2 =	slt.u32 s8, $0xFFFFF086  }
0x1c: {  	p1 =	slt.u32 s9, $0xF7A;
	s5 =	simm.s32 @!p2 $0x0  }
0x1d: {  	s5 =	simm.s32 @p1 $0x1;
	p0 =	seq.s32 s7, s2  }
0x1e: {  	s7 =	smul.u32 @!p0 $0xF7A, s2;
	p2 =	seq.s32 @!p0 s5, $0x0  }
0x1f: {  	s9 =	smul.u32 $0xF7A, s1;
	s8 =	simm.s32 @!p0 $0x1BF5;
	p2 =	por !p2, p0  }
0x20: {  	[sflag:s8] =	ssyncset.s32 @!p0 $0xFFFFF086;
	s6 =	sadd.s32 @!p0 s3, s7;
	s7 =	simm.s32 @!p0 $0x108  }
0x21: {  	s3 =	sadd.s32 s3, s9;
	s6 =	sadd.s32 @!p0 $0x88, s6;
	s7 =	simm.s32 @p2 $0x1082  }
0x22: {  	[simem:s7], [sflag:s8] =	dma.local @!p0 [hbm:s6], $0xF7A  }
0x23: {  	s9 =	sor.u32 $0xD0000000, s2;
	s6 =	simm.s32 $0x108;
	_ =	swait.ge @!p0 [sflag:s8], $0x0  }
0x24: {  	s3 =	sadd.s32 $0x88, s3;
	s6 =	simm.s32 @!p1 $0x1082;
	[sflag:s4] =	ssyncset.s32 $0xFFFFF086  }
0x25: {  	[simem:s6], [sflag:s4] =	dma.local [hbm:s3], $0xF7A  }
0x26: {  	[smem:$0x3F87] =	sst s1;
	(tag) =	ssettag s2;
	_ =	strace s9  }
0x27: {  	s1 =	sld [smem:$0x3F97]  }
0x28: {  	s2 =	sld [smem:$0x3F98]  }
0x29: {  	s4 =	sld [smem:$0x3F9A]  }
0x2a: {  	p0 =	seq.s32 s5, $0x0;
	s5 =	sld [smem:$0x3F9B]  }
0x2b: {  	s6 =	sld [smem:$0x3F9C]  }
0x2c: {  	s7 =	sld [smem:$0x3F9D]  }
0x2d: {  	s3 =	simm.s32 $0x108;
	s8 =	sld [smem:$0x3F9E]  }
0x2e: {  	s3 =	simm.s32 @!p0 $0x1082;
	s9 =	sld [smem:$0x3F9F]  }
0x2f: {  	lr =	sadd.s32 s0, s3;
	s0 =	sld [smem:$0x3F96]  }
0x30: {  	s3 =	sld [smem:$0x3F99]  }
0x31: {  	[smem:$0x3FA2] =	sst s10  }
0x32: {  	s10 =	sld [smem:$0x3FA0];
	_ =	sdelay $0x3  }
0x33: {  	p0 =	seq.s32 s10, $0x1;
	s10 =	sld [smem:$0x3FA2];
	_ =	sdelay $0x3  }
0x34: {  	[smem:$0x3FA2] =	sst s10  }
0x35: {  	s10 =	sld [smem:$0x3FA1];
	_ =	sdelay $0x3  }
0x36: {  	p1 =	seq.s32 s10, $0x1;
	s10 =	sld [smem:$0x3FA2];
	_ =	sdelay $0x3  }
0x37: {  	[smem:$0x3FA2] =	sst s10  }
0x38: {  	s10 =	sld [smem:$0x3FA3]  }
0x39: {  	_ = 	snop;
	(pc) =	sbr.ind lr, $3  }
0x3a: {  	_ = 	snop  }
0x3b: {  	_ = 	snop  }
0x3c: {  	p2 =	seq.s32 s10, $0x1;
	s10 =	sld [smem:$0x3FA2]  }
0x3d: {  	_ =	shalt  }
0x3e: {  	_ =	shalt  }
0x3f: {  	_ =	shalt  }
0x40: {  	_ =	shalt  }
0x41: {  	_ =	shalt  }
0x42: {  	_ =	shalt  }
0x43: {  	_ =	shalt  }
0x44: {  	_ =	shalt  }
0x45: {  	_ =	shalt  }
0x46: {  	_ =	shalt  }
0x47: {  	_ =	shalt  }
0x48: {  	_ =	shalt  }
0x49: {  	_ =	shalt  }
0x4a: {  	_ =	shalt  }
0x4b: {  	_ =	shalt  }
0x4c: {  	_ =	shalt  }
0x4d: {  	_ =	shalt  }
0x4e: {  	_ =	shalt  }
0x4f: {  	_ =	shalt  }
0x50: {  	_ =	shalt  }
0x51: {  	_ =	shalt  }
0x52: {  	_ =	shalt  }
0x53: {  	_ =	shalt  }
0x54: {  	_ =	shalt  }
0x55: {  	_ =	shalt  }
0x56: {  	_ =	shalt  }
0x57: {  	_ =	shalt  }
0x58: {  	_ =	shalt  }
0x59: {  	_ =	shalt  }
0x5a: {  	_ =	shalt  }
0x5b: {  	_ =	shalt  }
0x5c: {  	_ =	shalt  }
0x5d: {  	_ =	shalt  }
0x5e: {  	_ =	shalt  }
0x5f: {  	_ =	shalt  }
0x60: {  	_ =	shalt  }
0x61: {  	_ =	shalt  }
0x62: {  	_ =	shalt  }
0x63: {  	_ =	shalt  }
0x64: {  	_ =	shalt  }
0x65: {  	_ =	shalt  }
0x66: {  	_ =	shalt  }
0x67: {  	_ =	shalt  }
0x68: {  	_ =	shalt  }
0x69: {  	_ =	shalt  }
0x6a: {  	_ =	shalt  }
0x6b: {  	_ =	shalt  }
0x6c: {  	_ =	shalt  }
0x6d: {  	_ =	shalt  }
0x6e: {  	_ =	shalt  }
0x6f: {  	_ =	shalt  }
0x70: {  	_ =	shalt  }
0x71: {  	_ =	shalt  }
0x72: {  	_ =	shalt  }
0x73: {  	_ =	shalt  }
0x74: {  	_ =	shalt  }
0x75: {  	_ =	shalt  }
0x76: {  	_ =	shalt  }
0x77: {  	_ =	shalt  }
0x78: {  	_ =	shalt  }
0x79: {  	_ =	shalt  }
0x7a: {  	_ =	shalt  }
0x7b: {  	_ =	shalt  }
0x7c: {  	_ =	shalt  }
0x7d: {  	_ =	shalt  }
0x7e: {  	_ =	shalt  }
0x7f: {  	_ =	shalt  }
0x80: {  	_ =	shalt  }
0x81: {  	_ =	shalt  }
0x82: {  	_ =	shalt  }
0x83: {  	_ =	shalt  }
0x84: {  	_ =	shalt  }
0x85: {  	_ =	shalt  }
0x86: {  	_ =	shalt  }
0x87: {  	_ =	shalt  }
.Lfunc_end0:
.L_simem_size_0:
called_computation.2_lowered:
.L_overlay_start_0:
0x88: {  	s2 =	sld [smem:$0x3FD9]  }
0x89: {  	s3 =	sld [smem:$0x3FFE];
	_ =	sdelay $0x1  }
0x8a: {  	s1 =	srdreg.scid  }
0x8b: {  	s0 =	sand.u32 $0x1, s1  }
0x8c: {  	s16 =	sshll.u32 s0, $0xA;
	s2 =	sadd.s32 s3, s2  }
0x8d: {  	s2 =	sadd.s32 s2, s16  }
0x8e: {  	[smem:$0x3FAE] =	sst s2  }
0x8f: {  	_ = 	snop  }
0x90: {  	(tm) =	ssettm $0x1  }
0x91: {  	s17 =	sld [smem:$0x3FFB];
	_ =	sdelay $0x3  }
0x92: {  	_ =	strace s17  }
0x93: {  	s2 =	sld [smem:$0x3FFC];
	_ =	sdelay $0x3  }
0x94: {  	_ =	strace s2  }
0x95: {  	s2 =	sld [smem:$0x3FFD];
	_ =	sdelay $0x3  }
0x96: {  	_ =	strace s2  }
0x97: {  	_ =	strace $0x8FFFFFFF  }
0x98: {  	s18 =	sld [smem:$0x3FDB];
	_ =	sdelay $0x1  }
0x99: {  	s19 =	simm.s32 $_scs_section_size  }
0x9a: {  	s4 =	simm.s32 $_size__tile_overlayer_lowered;
	s5 =	simm.s32 $_tile_overlayer_lowered  }
0x9b: {  	s22 =	simm.s32 $0x1BFF;
	s21 =	sshll.u32 s5, $0x1;
	s2 =	sadd.s32 s19, s18  }
0x9c: {  	s6 =	simm.s32 $0x0;
	s20 =	sshll.u32 s4, $0x1;
	s4 =	sadd.s32 s21, s2  }
0x9d: {  	[timem:s6], [sflag:s22] =	dma.local [hbm:s4], s20  }
0x9e: {  	_ =	swait.ge [sflag:s22], s20  }
0x9f: {  	s3 =	ssub.s32 $0x0, s20;
	[sflag:s22] =	ssyncset.done $0x0  }
0xa0: {  	[sflag:s22] =	ssyncadd.s32 s3;
	_ =	sdelay $0x1  }
0xa1: {  	s23 =	simm.s32 $0x1B8B  }
0xa2: {  	_ =	swait.ge [sflag:s23], $0x1  }
0xa3: {  	[sflag:s23] =	ssyncset.done $0x0  }
0xa4: {  	s25 =	simm.s32 $0x1B8E;
	s24 =	sld [smem:$0x3FFE];
	[sflag:s23] =	ssyncadd.s32 $0xFFFFFFFF  }
0xa5: {  	s26 =	simm.s32 $execute0_lowered;
	[smem:$0x3FD2] =	sst s25  }
0xa6: {  	s4 =	sshll.u32 s26, $0x1;
	_ =	strace $0x8000004C;
	[dreg:$0x1] =	wrdreg $0xFFFFFFFF  }
0xa7: {  	s28 =	simm.s32 $_size_execute0_lowered;
	s2 =	sadd.s32 s2, s4;
	[dreg:$0x0] =	wrdreg $0x0  }
0xa8: {  	s4 =	sshll.u32 s28, $0x1;
	[dreg:$0x2] =	wrdreg s2  }
0xa9: {  	[dreg:$0x3] =	wrdreg s4  }
0xaa: {  	[dreg:$0x4] =	wrdreg $0xC0  }
0xab: {  	_ =	task [dreg:s6], $0x5FFFF  }
0xac: {  	[dreg:$0x1] =	wrdreg $0xFFFFFFFF  }
0xad: {  	[dreg:$0x0] =	wrdreg $0x60  }
0xae: {  	[dreg:$0x2] =	wrdreg s24  }
0xaf: {  	[dreg:$0x3] =	wrdreg $0x81000  }
0xb0: {  	[dreg:$0x4] =	wrdreg $0x9  }
0xb1: {  	_ =	task.clear_ibuf [dreg:s6], $0x5FFFF;
	_ =	strace $0x9000004C  }
0xb2: {  	s29 =	simm.s32 $0x9;
	_ =	strace $0x8000004E  }
0xb3: {  	_ =	swait.ge [sflag:s29], $0x1  }
0xb4: {  	[sflag:s29] =	ssyncadd.s32 $0xFFFFFFFF  }
0xb5: {  	_ =	strace $0x9000004E  }
0xb6: {  	_ =	sfence  }
0xb7: {  	s30 =	sld [smem:$0x0];
	_ =	sdelay $0x2  }
0xb8: {  	s31 =	sshll.u32 s1, $0xD;
	s1 =	sshrl.u32 s1, $0x2  }
0xb9: {  	s3 =	sand.u32 $0x4000, s31;
	s1 =	sadd.s32 s1, s30  }
0xba: {  	s0 =	sor.u32 s3, s0;
	s1 =	sshll.u32 s1, $0x11  }
0xbb: {  	s0 =	sor.u32 s1, s0  }
0xbc: {  	s0 =	sadd.s32 $0x8F2B, s0  }
0xbd: {  	[sflag:s0] =	ssyncadd.remote.s32 $0x1  }
0xbe: {  	_ =	sfence.sel $0xFFFF  }
0xbf: {  	[dreg:$0x0] =	wrdreg $0xFFFFFFFF;
	(pc) =	sbr.abs _section_cstart, $3  }
0xc0: {  	[dreg:$0x1] =	wrdreg $0xFFFFFFFF  }
0xc1: {  	_ =	task.clear_ibuf [dreg:s6], $0x2FFFF;
	_ =	strace $0x9FFFFFFF  }
0xc2: {  	(tm) =	ssettm $0x7FFFFFFF  }
0xc3: {  	_ =	shalt  }
tec
execute0_lowered:
.L_overlay_start_1:
0x0: {  	(tag) =	ssettag $0x1  }
0x1: {  	s8 =	rddreg [dreg:$0x0]  }
0x2: {  	s2 =	rddreg [dreg:$0x1]  }
0x3: {  	s0 =	rddreg [dreg:$0x2];
	s3 =	simm.s32 $0x0;
	s1 =	stileid.u32  }
0x4: {  	s4 =	srdreg.scid;
	s16 =	simm.s32 $0x100;
	s17 =	simm.s32 $0x1  }
0x5: {  	s18 =	simm.s32 $0x4100;
	s23 =	simm.s32 $0x0;
	[smem:$0x7FF] =	sst s3  }
0x6: {  	s9 =	smul.u32 $0x13C00, s1;
	s10 =	sand.u32 $0x1, s4;
	s5 =	sadd.s32 $0xA0F400, s8  }
0x7: {  	s4 =	sadd.s32 $0x15C00, s8;
	s6 =	sadd.s32 $0xBE00, s8;
	s7 =	sadd.s32 $0x515600, s8  }
0x8: {  	s13 =	smul.u32 $0x4F000, s1;
	s31 =	sshll.u32 s1, $0x6;
	_ =	strace $0x8000004D  }
0x9: {  	s11 =	smul.u32 $0x13C000, s10;
	s28 =	ssub.s32 $0x2, s10;
	s30 =	sshll.u32 s10, $0x4  }
0xa: {  	s12 =	sshrl.u32 s9, $0x3;
	s14 =	sshrl.u32 s28, $0x1;
	s29 =	sshrl.u32 s13, $0x2  }
0xb: {  	s10 =	sor.u32 s1, s30;
	s9 =	sadd.s32 s9, s11;
	s12 =	sadd.s32 s12, s8  }
0xc: {  	s14 =	ssub.s32 s28, s14;
	s13 =	sadd.s32 s29, s2;
	s9 =	sshrl.u32 s9, $0x3  }
0xd: {  	s10 =	smul.u32 $0x4F, s10;
	s13 =	sshrl.u32 s13, $0x3;
	s15 =	sadd.s32 s9, s8  }
0xe: {  	s8 =	sadd.s32 $0x3DE00, s12;
	s9 =	sor.u32 $0x1C02, s31;
	s12 =	smax.u32 s14, $0x1  }
0xf: {  	s14 =	simm.s32 $0x2;
	s11 =	sadd.s32 $0x65600, s15;
	s15 =	simm.s32 $0x80  }
.LBB2_1:
0x10: {  	[spmem:s13], [sflag:s9] =	dma.local [hbm:s8], $0x2780  }
0x11: {  	_ =	swait.ge [sflag:s14], $0x2780  }
0x12: {  	[sflag:s14] =	ssyncset.done $0x0  }
0x13: {  	[sflag:s14] =	ssyncadd.s32 $0xFFFFD880  }
0x14: {  	s19 =	simm.s32 $0x0;
	[bflag:$0x0] =	sbarrier.arrive $0xFFFF  }
.LBB2_2:
0x15: {  	s20 =	sadd.s32 s10, s19  }
0x16: {  	s21 =	sshll.u32 s20, $0x4  }
0x17: {  	s22 =	sadd.s32 s6, s21  }
0x18: {  	[tilespmem:s23], [sflag:$0x2] =	stream.linear.gather [hbm4b:s22+s23], $0x80, $0x38;
	[tilespmem:$0x1BD00] =	vst v63  }
0x19: {  	_ =	swait.ge [sflag:s14], $0x80  }
0x1a: {  	[sflag:s14] =	ssyncset.done $0x0  }
0x1b: {  	s21 =	sadd.s32 s7, s21;
	[sflag:s14] =	ssyncadd.s32 $0xFFFFFF80  }
0x1c: {  	[tilespmem:s15], [sflag:$0x2] =	stream.linear.gather [hbm4b:s21+s23], $0x80, $0x38;
	[tilespmem:$0x1BD00] =	vst v63  }
0x1d: {  	_ =	swait.ge [sflag:s14], $0x80  }
0x1e: {  	[sflag:s14] =	ssyncset.done $0x0  }
0x1f: {  	[sflag:s14] =	ssyncadd.s32 $0xFFFFFF80  }
0x20: {  	[tilespmem:s16], [sflag:$0x1] =	stream.indirect.gather [hbm4b:s4+s15], $0x80, s23, s15, $0xb8;
	[tilespmem:$0x1BD00] =	vst v63  }
0x21: {  	_ =	swait.ge [sflag:s17], $0x4000  }
0x22: {  	s20 =	sshll.u32 s20, $0xB;
	[sflag:s17] =	ssyncset.done $0x0  }
0x23: {  	s20 =	sadd.s32 s5, s20;
	[sflag:s17] =	ssyncadd.s32 $0xFFFFC000  }
0x24: {  	[tilespmem:s18], [sflag:$0x2] =	stream.linear.gather [hbm4b:s20+s23], $0x4000, $0x38;
	[tilespmem:$0x1BD00] =	vst v63  }
0x25: {  	_ =	swait.ge [sflag:s14], $0x4000  }
0x26: {  	[sflag:s14] =	ssyncset.done $0x0  }
0x27: {  	s20 =	simm.s32 $0x0;
	[sflag:s14] =	ssyncadd.s32 $0xFFFFC000  }
0x28: {  	v6 =	vld [tilespmem:s20+$0x4100]  }
0x29: {  	v11 =	vld [tilespmem:s20+$0x4110]  }
0x2a: {  	v5 =	vld [tilespmem:s20+$0x4120]  }
0x2b: {  	v4 =	vld [tilespmem:s20+$0x4130]  }
0x2c: {  	v3 =	vld [tilespmem:s20+$0x4140]  }
0x2d: {  	v2 =	vld [tilespmem:s20+$0x4150]  }
0x2e: {  	v1 =	vld [tilespmem:s20+$0x4160]  }
0x2f: {  	v0 =	vld [tilespmem:s20+$0x4170]  }
0x30: {  	v12 =	vld [tilespmem:s20+$0x100]  }
0x31: {  	v13 =	vld [tilespmem:s20+$0x110]  }
0x32: {  	v10 =	vld [tilespmem:s20+$0x120]  }
0x33: {  	v9 =	vld [tilespmem:s20+$0x130]  }
0x34: {  	v8 =	vld [tilespmem:s20+$0x140]  }
0x35: {  	v7 =	vld [tilespmem:s20+$0x150];
	v12 =	vadd.f32 v6, v12  }
0x36: {  	s21 =	simm.s32 $0x200;
	v11 =	vadd.f32 v11, v13;
	v6 =	vld [tilespmem:s20+$0x160]  }
.LBB2_3:
0x37: {  	s22 =	sshra.s32 s21, $0x2;
	p0 =	sne.s32 s21, $0xFE00;
	v12 =	vmax.f32 v12, $0.0e+00;
	v5 =	vadd.f32 v5, v10;
	v10 =	vld [tilespmem:s20+$0x170]  }
0x38: {  	v13 =	vld [tilespmem:s22+$0x4100];
	[tilespmem:s20+$0x100] =	vst v12;
	v11 =	vmax.f32 v11, $0.0e+00;
	v4 =	vadd.f32 v4, v9  }
0x39: {  	v14 =	vld [tilespmem:s22+$0x4110];
	[tilespmem:s20+$0x110] =	vst v11;
	v9 =	vmax.f32 v5, $0.0e+00;
	v3 =	vadd.f32 v3, v8  }
0x3a: {  	v5 =	vld [tilespmem:s22+$0x4120];
	[tilespmem:s20+$0x120] =	vst v9;
	v8 =	vmax.f32 v4, $0.0e+00;
	v2 =	vadd.f32 v2, v7  }
0x3b: {  	v4 =	vld [tilespmem:s22+$0x4130];
	[tilespmem:s20+$0x130] =	vst v8;
	v7 =	vmax.f32 v3, $0.0e+00;
	v1 =	vadd.f32 v1, v6  }
0x3c: {  	v3 =	vld [tilespmem:s22+$0x4140];
	[tilespmem:s20+$0x140] =	vst v7;
	v6 =	vmax.f32 v2, $0.0e+00;
	v0 =	vadd.f32 v0, v10  }
0x3d: {  	v2 =	vld [tilespmem:s22+$0x4150];
	[tilespmem:s20+$0x150] =	vst v6;
	v6 =	vmax.f32 v1, $0.0e+00  }
0x3e: {  	v1 =	vld [tilespmem:s22+$0x4160];
	[tilespmem:s20+$0x160] =	vst v6;
	v6 =	vmax.f32 v0, $0.0e+00  }
0x3f: {  	v0 =	vld [tilespmem:s22+$0x4170];
	[tilespmem:s20+$0x170] =	vst v6;
	s20 =	smov.u32 s22  }
0x40: {  	v6 =	vld [tilespmem:s20+$0x100]  }
0x41: {  	v11 =	vld [tilespmem:s20+$0x110]  }
.Ltmp0:
0x42: {  	v10 =	vld [tilespmem:s20+$0x120];
	(pc) =	sbr.rel @p0 .LBB2_3-.Ltmp0, $4  }
0x43: {  	v9 =	vld [tilespmem:s20+$0x130]  }
0x44: {  	v8 =	vld [tilespmem:s20+$0x140]  }
0x45: {  	v12 =	vadd.f32 v13, v6;
	v7 =	vld [tilespmem:s20+$0x150]  }
0x46: {  	s21 =	sadd.s32 $0x200, s21;
	v11 =	vadd.f32 v14, v11;
	v6 =	vld [tilespmem:s20+$0x160]  }
0x47: {  	v12 =	vmax.f32 v12, $0.0e+00;
	v5 =	vadd.f32 v5, v10;
	v63 =	vld [tilespmem:s20+$0x170]  }
0x48: {  	[tilespmem:s20+$0x100] =	vst v12;
	v11 =	vmax.f32 v11, $0.0e+00;
	v4 =	vadd.f32 v4, v9  }
0x49: {  	[tilespmem:s20+$0x110] =	vst v11;
	v5 =	vmax.f32 v5, $0.0e+00;
	v3 =	vadd.f32 v3, v8  }
0x4a: {  	[tilespmem:s20+$0x120] =	vst v5;
	v4 =	vmax.f32 v4, $0.0e+00;
	v2 =	vadd.f32 v2, v7  }
0x4b: {  	[tilespmem:s20+$0x130] =	vst v4;
	v3 =	vmax.f32 v3, $0.0e+00;
	v1 =	vadd.f32 v1, v6  }
0x4c: {  	[tilespmem:s20+$0x140] =	vst v3;
	v2 =	vmax.f32 v2, $0.0e+00;
	v0 =	vadd.f32 v0, v63  }
0x4d: {  	s19 =	sadd.s32 $0x1, s19;
	[tilespmem:s20+$0x150] =	vst v2;
	v1 =	vmax.f32 v1, $0.0e+00  }
0x4e: {  	p0 =	sne.s32 s19, $0x4F;
	[tilespmem:s20+$0x160] =	vst v1;
	v0 =	vmax.f32 v0, $0.0e+00  }
.Ltmp1:
0x4f: {  	[tilespmem:s20+$0x170] =	vst v0;
	(pc) =	sbr.rel @p0 .LBB2_2-.Ltmp1, $4  }
0x50: {  	[spmem:s2] =	stream.indirect.scatter.add.f32 [tilespmem:s16], [sflag:$0x2], $0x80, s15, s15, $0xb8;
	[tilespmem:$0x1BD00] =	vst v63  }
0x51: {  	_ =	swait.ge [sflag:s14], $0x4000  }
0x52: {  	[sflag:s14] =	ssyncset.done $0x0  }
0x53: {  	[sflag:s14] =	ssyncadd.s32 $0xFFFFC000  }
0x54: {  	s3 =	sadd.s32 $0x1, s3  }
0x55: {  	p0 =	sne.s32 s3, s12  }
.Ltmp2:
0x56: {  	[bflag:$0x0] =	sbarrier.arrive $0xFFFF;
	(pc) =	sbr.rel @p0 .LBB2_1-.Ltmp2, $4  }
0x57: {  	[hbm:s11], [sflag:s9] =	dma.local [spmem:s13], $0x2780  }
0x58: {  	_ =	swait.ge [sflag:s14], $0x2780  }
0x59: {  	[sflag:s14] =	ssyncset.done $0x0  }
0x5a: {  	[sflag:s14] =	ssyncadd.s32 $0xFFFFD880  }
0x5b: {  	_ =	sfence.sel $0x180000  }
0x5c: {  	[bflag:$0x0] =	sbarrier.arrive $0xFFFF  }
0x5d: {  	p0 =	sne.s32 s1, $0x0;
	_ =	strace $0x9000004D  }
0x5e: {  	s0 =	sadd.s32 @!p0 $0x100000, s0;
	[bflag:$0x2] =	sbarrier.arrive $0xFFFF  }
0x5f: {  	[sflag:s0] =	ssyncadd.tile.s32 @!p0 $0x1;
	_ =	shalt  }
.Lfunc_end2:
_tile_overlayer_lowered:
.L_overlay_start_2:
0x60: {  	(tag) =	ssettag $0x2  }
0x61: {  	s0 =	rddreg [dreg:$0x0];
	s2 =	stileid.u32  }
0x62: {  	s1 =	rddreg [dreg:$0x1];
	p0 =	sne.s32 s2, $0x0  }
0x63: {  	s3 =	rddreg [dreg:$0x2];
	[bflag:$0x3] =	sbarrier.arrive $0xFFFF;
	s2 =	simm.s32 @!p0 $0x1C02  }
0x64: {  	[timem:s3], [sflag:s2] =	dma.local @!p0 [hbm:s0], s1  }
0x65: {  	s0 =	simm.s32 @!p0 $0x2  }
0x66: {  	_ =	swait.ge @!p0 [sflag:s0], s1  }
0x67: {  	s1 =	ssub.s32 @!p0 $0x0, s1;
	[sflag:s0] =	ssyncset.done @!p0 $0x0  }
0x68: {  	[sflag:s0] =	ssyncadd.s32 @!p0 s1  }
0x69: {  	[bflag:$0x3] =	sbarrier.arrive $0xFFFF  }
0x6a: {  	_ =	shalt  }

</sc_bundles>
